<compile_context>
chip_gen: v7x
topology: tpu7x:2x2x1
jax: 0.10.2.dev20260603
libtpu: 0.0.44.dev20260713+nightly
codegen_flags: <defaults>
</compile_context>

<pallas_src>
import functools

import jax
import jax.numpy as jnp
from jax import lax
from jax.experimental import pallas as pl
from jax.experimental.pallas import tpu as pltpu
from jax.experimental.pallas import tpu_sc as plsc

_V = 10000
_D = 10000
_DM = 9984
_TW = 128
_TR = _D - _DM
_B = 2048
_NC = 2
_NS = 16
_NW = _NC * _NS
_BPW = _B // _NW
_K = 8
_NCHUNK = _BPW // _K


@functools.partial(
    pl.kernel,
    out_type=jax.ShapeDtypeStruct((_B, _D), jnp.float32),
    mesh=plsc.VectorSubcoreMesh(core_axis_name="c", subcore_axis_name="s"),
    scratch_types=[
        pltpu.VMEM((_BPW,), jnp.int32),
        pltpu.VMEM((_K, _D), jnp.float32),
        pltpu.VMEM((_BPW, _TW), jnp.float32),
        pltpu.SemaphoreType.DMA,
        pltpu.SemaphoreType.DMA,
    ],
)
def _gather_rows(sims_hbm, tail_hbm, idx_hbm, out_hbm, idx_v, rows_v, tail_v,
                 gsem, tsem):
    wid = lax.axis_index("s") * _NC + lax.axis_index("c")
    base = wid * _BPW
    pltpu.sync_copy(idx_hbm.at[pl.ds(base, _BPW)], idx_v)
    th = pltpu.async_copy(tail_hbm.at[idx_v], tail_v, tsem)
    for c in range(_NCHUNK):
        idx_c = idx_v.at[pl.ds(c * _K, _K)]
        gh = pltpu.async_copy(
            sims_hbm.at[idx_c, pl.ds(0, _DM)], rows_v.at[:, pl.ds(0, _DM)],
            gsem,
        )
        gh.wait()
        if c == 0:
            th.wait()
        for r in range(_K):
            rows_v[r, pl.ds(_DM, _TR)] = tail_v[c * _K + r,
                                                pl.ds(_TW - _TR, _TR)]
        pltpu.sync_copy(rows_v, out_hbm.at[pl.ds(base + c * _K, _K)])


def kernel(x, sims):
    idx = x.reshape(-1).astype(jnp.int32)
    tail = lax.slice(sims, (0, _D - _TW), (_V, _D))
    out = _gather_rows(sims, tail, idx)
    return out.reshape(x.shape[0], x.shape[1], _V)

# --- scband reference (transcript-rebuilt; emitter-appended) ---
"""Pipeline reference for scband-glove-gold-getter-2723009266245 (READ-ONLY COPY).

The authoritative reference and input builder live on the scoring server;
editing this copy changes nothing except your own understanding.
"""

import jax, jax.numpy as jnp
import numpy as np

V = 10000
D = 50
BATCH = 64
SEQLEN = 32


def setup_inputs(seed: int = 0) -> dict:
    key = jax.random.key(seed)
    k1, k2 = jax.random.split(key)
    # Pretrained embedding table (stand-in for glove weights)
    weight = jax.random.normal(k1, (V, D), dtype=jnp.float32)
    # __init__ precomputes pairwise dot-product similarities (docosine=False path)
    sims = jnp.einsum('ai,bi->ab', weight, weight)
    # gold token ids
    x = jax.random.randint(k2, (BATCH, SEQLEN), 0, V, dtype=jnp.int64 if jax.config.jax_enable_x64 else jnp.int32)
    return {"x": x, "sims": sims}


def reference(x, sims):
    # forward: ret = self.sims[x]  -> (batsize, seqlen, V)
    ret = sims[x]
    return ret

if __name__ == "__main__":
    import jax
    _d = setup_inputs()
    print(jax.jit(kernel)(*tuple(_d.values())))

</pallas_src>

<mosaic_0001>
#map = affine_map<(d0, d1) -> (0, 0)>
#map1 = affine_map<(d0, d1) -> (0)>
module attributes {stable_mosaic.version = 14 : i64} {
  func.func @_gather_rows(%arg0: i32, %arg1: i32, %arg2: memref<10000x10000xf32, #tpu.memory_space<hbm>>, %arg3: memref<10000x128xf32, #tpu.memory_space<hbm>>, %arg4: memref<2048xi32, #tpu.memory_space<hbm>>, %arg5: memref<2048x10000xf32, #tpu.memory_space<hbm>>, %arg6: memref<64xi32, #tpu.memory_space<vmem>>, %arg7: memref<8x10000xf32, #tpu.memory_space<vmem>>, %arg8: memref<64x128xf32, #tpu.memory_space<vmem>>, %arg9: memref<!tpu.dma_semaphore, #tpu.memory_space<semaphore_mem>>, %arg10: memref<!tpu.dma_semaphore, #tpu.memory_space<semaphore_mem>>) attributes {dimension_semantics = [#tpu.dimension_semantics<core_parallel>, #tpu.dimension_semantics<subcore_parallel>], iteration_bounds = array<i64: 2, 16>, scalar_prefetch = 0 : i64, scratch_operands = 5 : i64, tpu.core_type = #tpu.core_type<sc_vector_subcore>, window_params = [{transform_indices = #map}, {transform_indices = #map}, {transform_indices = #map1}, {transform_indices = #map}]} {
    %mul3A = arith.constant 2 : i32
    %mul3A_0 = arith.muli %arg1, %mul3A : i32
    %add3A = arith.addi %mul3A_0, %arg0 : i32
    %mul3A_1 = arith.constant 64 : i32
    %mul3A_2 = arith.muli %add3A, %mul3A_1 : i32
    "tpu.region"() ({
      %run_scoped3A = tpu.sem_alloc : memref<!tpu.dma_semaphore, #tpu.memory_space<semaphore_mem>>
      %dma_start3A_853 = tpu.memref_slice %arg4[%mul3A_2] : memref<2048xi32, #tpu.memory_space<hbm>> -> memref<64xi32, #tpu.memory_space<hbm>>
      %dma_start3A_854 = tpu.memref_slice %arg4[%mul3A_2] : memref<2048xi32, #tpu.memory_space<hbm>> -> memref<64xi32, #tpu.memory_space<hbm>>
      tpu.enqueue_dma source(%dma_start3A_854 : memref<64xi32, #tpu.memory_space<hbm>>) target(%arg6 : memref<64xi32, #tpu.memory_space<vmem>>) target_semaphore(%run_scoped3A : memref<!tpu.dma_semaphore, #tpu.memory_space<semaphore_mem>>)
      %dma_wait3A_855 = tpu.memref_slice %arg4[%mul3A_2] : memref<2048xi32, #tpu.memory_space<hbm>> -> memref<64xi32, #tpu.memory_space<hbm>>
      %dma_wait3A_856 = tpu.memref_slice %arg4[%mul3A_2] : memref<2048xi32, #tpu.memory_space<hbm>> -> memref<64xi32, #tpu.memory_space<hbm>>
      tpu.wait_dma2 semaphore(%run_scoped3A : memref<!tpu.dma_semaphore, #tpu.memory_space<semaphore_mem>>) src(%dma_wait3A_856 : memref<64xi32, #tpu.memory_space<hbm>>) dst(%arg6 : memref<64xi32, #tpu.memory_space<vmem>>)
      tpu.yield
    }) : () -> ()
    %dma_start3A = arith.constant 0 : i32
    %dma_start3A_3 = arith.constant 0 : i32
    %dma_start3A_4 = tpu.memref_slice %arg3[%dma_start3A, %dma_start3A_3] : memref<10000x128xf32, #tpu.memory_space<hbm>> -> memref<10000x128xf32, #tpu.memory_space<hbm>>
    tpu.enqueue_indirect_dma source(%dma_start3A_4 : memref<10000x128xf32, #tpu.memory_space<hbm>>) target(%arg8 : memref<64x128xf32, #tpu.memory_space<vmem>>) offsets(%arg6 : memref<64xi32, #tpu.memory_space<vmem>>) semaphore(%arg10 : memref<!tpu.dma_semaphore, #tpu.memory_space<semaphore_mem>>)
    %dma_start3A_5 = arith.constant 0 : i32
    %dma_start3A_6 = arith.constant 0 : i32
    %dma_start3A_7 = tpu.memref_slice %arg7[%dma_start3A_5, %dma_start3A_6] : memref<8x10000xf32, #tpu.memory_space<vmem>> -> memref<8x9984xf32, #tpu.memory_space<vmem>>
    %dma_start3A_8 = arith.constant 0 : i32
    %dma_start3A_9 = tpu.memref_slice %arg6[%dma_start3A_8] : memref<64xi32, #tpu.memory_space<vmem>> -> memref<8xi32, #tpu.memory_space<vmem>>
    %dma_start3A_10 = arith.constant 0 : i32
    %dma_start3A_11 = arith.constant 0 : i32
    %dma_start3A_12 = tpu.memref_slice %arg2[%dma_start3A_10, %dma_start3A_11] : memref<10000x10000xf32, #tpu.memory_space<hbm>> -> memref<10000x9984xf32, #tpu.memory_space<hbm>>
    tpu.enqueue_indirect_dma source(%dma_start3A_12 : memref<10000x9984xf32, #tpu.memory_space<hbm>>) target(%dma_start3A_7 : memref<8x9984xf32, #tpu.memory_space<vmem>>) offsets(%dma_start3A_9 : memref<8xi32, #tpu.memory_space<vmem>>) semaphore(%arg9 : memref<!tpu.dma_semaphore, #tpu.memory_space<semaphore_mem>>)
    %dma_wait3A = arith.constant 0 : i32
    %dma_wait3A_13 = arith.constant 0 : i32
    %dma_wait3A_14 = tpu.memref_slice %arg7[%dma_wait3A, %dma_wait3A_13] : memref<8x10000xf32, #tpu.memory_space<vmem>> -> memref<8x9984xf32, #tpu.memory_space<vmem>>
    %dma_wait3A_15 = arith.constant 0 : i32
    %dma_wait3A_16 = tpu.memref_slice %arg6[%dma_wait3A_15] : memref<64xi32, #tpu.memory_space<vmem>> -> memref<8xi32, #tpu.memory_space<vmem>>
    %dma_wait3A_17 = arith.constant 0 : i32
    %dma_wait3A_18 = arith.constant 0 : i32
    %dma_wait3A_19 = tpu.memref_slice %arg2[%dma_wait3A_17, %dma_wait3A_18] : memref<10000x10000xf32, #tpu.memory_space<hbm>> -> memref<10000x9984xf32, #tpu.memory_space<hbm>>
    tpu.wait_indirect_dma semaphore(%arg9 : memref<!tpu.dma_semaphore, #tpu.memory_space<semaphore_mem>>) src(%dma_wait3A_19 : memref<10000x9984xf32, #tpu.memory_space<hbm>>) dst(%dma_wait3A_14 : memref<8x9984xf32, #tpu.memory_space<vmem>>)
    %dma_wait3A_20 = arith.constant 0 : i32
    %dma_wait3A_21 = arith.constant 0 : i32
    %dma_wait3A_22 = tpu.memref_slice %arg3[%dma_wait3A_20, %dma_wait3A_21] : memref<10000x128xf32, #tpu.memory_space<hbm>> -> memref<10000x128xf32, #tpu.memory_space<hbm>>
    tpu.wait_indirect_dma semaphore(%arg10 : memref<!tpu.dma_semaphore, #tpu.memory_space<semaphore_mem>>) src(%dma_wait3A_22 : memref<10000x128xf32, #tpu.memory_space<hbm>>) dst(%arg8 : memref<64x128xf32, #tpu.memory_space<vmem>>)
    %get3A = arith.constant 0 : i32
    %get3A_23 = arith.index_cast %get3A : i32 to index
    %get3A_24 = arith.constant 112 : index
    %get3A_25 = tpu.vector_load %arg8[%get3A_23, %get3A_24] {strides = array<i32>} : memref<64x128xf32, #tpu.memory_space<vmem>>, vector<1x16xf32>,
    %get3A_26 = vector.shape_cast %get3A_25 : vector<1x16xf32> to vector<16xf32>
    %swap3A = arith.constant 0 : i32
    %swap3A_27 = arith.index_cast %swap3A : i32 to index
    %swap3A_28 = arith.constant 9984 : index
    %swap3A_29 = tpu.vector_load %arg7[%swap3A_27, %swap3A_28] {strides = array<i32>} : memref<8x10000xf32, #tpu.memory_space<vmem>>, vector<1x16xf32>,
    %swap3A_30 = vector.shape_cast %swap3A_29 : vector<1x16xf32> to vector<16xf32>
    %swap3A_31 = vector.shape_cast %get3A_26 : vector<16xf32> to vector<1x16xf32>
    tpu.vector_store %arg7[%swap3A_27, %swap3A_28], %swap3A_31 {strides = array<i32>} : memref<8x10000xf32, #tpu.memory_space<vmem>>, vector<1x16xf32>,
    %get3A_32 = arith.constant 1 : i32
    %get3A_33 = arith.index_cast %get3A_32 : i32 to index
    %get3A_34 = arith.constant 112 : index
    %get3A_35 = tpu.vector_load %arg8[%get3A_33, %get3A_34] {strides = array<i32>} : memref<64x128xf32, #tpu.memory_space<vmem>>, vector<1x16xf32>,
    %get3A_36 = vector.shape_cast %get3A_35 : vector<1x16xf32> to vector<16xf32>
    %swap3A_37 = arith.constant 1 : i32
    %swap3A_38 = arith.index_cast %swap3A_37 : i32 to index
    %swap3A_39 = arith.constant 9984 : index
    %swap3A_40 = tpu.vector_load %arg7[%swap3A_38, %swap3A_39] {strides = array<i32>} : memref<8x10000xf32, #tpu.memory_space<vmem>>, vector<1x16xf32>,
    %swap3A_41 = vector.shape_cast %swap3A_40 : vector<1x16xf32> to vector<16xf32>
    %swap3A_42 = vector.shape_cast %get3A_36 : vector<16xf32> to vector<1x16xf32>
    tpu.vector_store %arg7[%swap3A_38, %swap3A_39], %swap3A_42 {strides = array<i32>} : memref<8x10000xf32, #tpu.memory_space<vmem>>, vector<1x16xf32>,
    %get3A_43 = arith.constant 2 : i32
    %get3A_44 = arith.index_cast %get3A_43 : i32 to index
    %get3A_45 = arith.constant 112 : index
    %get3A_46 = tpu.vector_load %arg8[%get3A_44, %get3A_45] {strides = array<i32>} : memref<64x128xf32, #tpu.memory_space<vmem>>, vector<1x16xf32>,
    %get3A_47 = vector.shape_cast %get3A_46 : vector<1x16xf32> to vector<16xf32>
    %swap3A_48 = arith.constant 2 : i32
    %swap3A_49 = arith.index_cast %swap3A_48 : i32 to index
    %swap3A_50 = arith.constant 9984 : index
    %swap3A_51 = tpu.vector_load %arg7[%swap3A_49, %swap3A_50] {strides = array<i32>} : memref<8x10000xf32, #tpu.memory_space<vmem>>, vector<1x16xf32>,
    %swap3A_52 = vector.shape_cast %swap3A_51 : vector<1x16xf32> to vector<16xf32>
    %swap3A_53 = vector.shape_cast %get3A_47 : vector<16xf32> to vector<1x16xf32>
    tpu.vector_store %arg7[%swap3A_49, %swap3A_50], %swap3A_53 {strides = array<i32>} : memref<8x10000xf32, #tpu.memory_space<vmem>>, vector<1x16xf32>,
    %get3A_54 = arith.constant 3 : i32
    %get3A_55 = arith.index_cast %get3A_54 : i32 to index
    %get3A_56 = arith.constant 112 : index
    %get3A_57 = tpu.vector_load %arg8[%get3A_55, %get3A_56] {strides = array<i32>} : memref<64x128xf32, #tpu.memory_space<vmem>>, vector<1x16xf32>,
    %get3A_58 = vector.shape_cast %get3A_57 : vector<1x16xf32> to vector<16xf32>
    %swap3A_59 = arith.constant 3 : i32
    %swap3A_60 = arith.index_cast %swap3A_59 : i32 to index
    %swap3A_61 = arith.constant 9984 : index
    %swap3A_62 = tpu.vector_load %arg7[%swap3A_60, %swap3A_61] {strides = array<i32>} : memref<8x10000xf32, #tpu.memory_space<vmem>>, vector<1x16xf32>,
    %swap3A_63 = vector.shape_cast %swap3A_62 : vector<1x16xf32> to vector<16xf32>
    %swap3A_64 = vector.shape_cast %get3A_58 : vector<16xf32> to vector<1x16xf32>
    tpu.vector_store %arg7[%swap3A_60, %swap3A_61], %swap3A_64 {strides = array<i32>} : memref<8x10000xf32, #tpu.memory_space<vmem>>, vector<1x16xf32>,
    %get3A_65 = arith.constant 4 : i32
    %get3A_66 = arith.index_cast %get3A_65 : i32 to index
    %get3A_67 = arith.constant 112 : index
    %get3A_68 = tpu.vector_load %arg8[%get3A_66, %get3A_67] {strides = array<i32>} : memref<64x128xf32, #tpu.memory_space<vmem>>, vector<1x16xf32>,
    %get3A_69 = vector.shape_cast %get3A_68 : vector<1x16xf32> to vector<16xf32>
    %swap3A_70 = arith.constant 4 : i32
    %swap3A_71 = arith.index_cast %swap3A_70 : i32 to index
    %swap3A_72 = arith.constant 9984 : index
    %swap3A_73 = tpu.vector_load %arg7[%swap3A_71, %swap3A_72] {strides = array<i32>} : memref<8x10000xf32, #tpu.memory_space<vmem>>, vector<1x16xf32>,
    %swap3A_74 = vector.shape_cast %swap3A_73 : vector<1x16xf32> to vector<16xf32>
    %swap3A_75 = vector.shape_cast %get3A_69 : vector<16xf32> to vector<1x16xf32>
    tpu.vector_store %arg7[%swap3A_71, %swap3A_72], %swap3A_75 {strides = array<i32>} : memref<8x10000xf32, #tpu.memory_space<vmem>>, vector<1x16xf32>,
    %get3A_76 = arith.constant 5 : i32
    %get3A_77 = arith.index_cast %get3A_76 : i32 to index
    %get3A_78 = arith.constant 112 : index
    %get3A_79 = tpu.vector_load %arg8[%get3A_77, %get3A_78] {strides = array<i32>} : memref<64x128xf32, #tpu.memory_space<vmem>>, vector<1x16xf32>,
    %get3A_80 = vector.shape_cast %get3A_79 : vector<1x16xf32> to vector<16xf32>
    %swap3A_81 = arith.constant 5 : i32
    %swap3A_82 = arith.index_cast %swap3A_81 : i32 to index
    %swap3A_83 = arith.constant 9984 : index
    %swap3A_84 = tpu.vector_load %arg7[%swap3A_82, %swap3A_83] {strides = array<i32>} : memref<8x10000xf32, #tpu.memory_space<vmem>>, vector<1x16xf32>,
    %swap3A_85 = vector.shape_cast %swap3A_84 : vector<1x16xf32> to vector<16xf32>
    %swap3A_86 = vector.shape_cast %get3A_80 : vector<16xf32> to vector<1x16xf32>
    tpu.vector_store %arg7[%swap3A_82, %swap3A_83], %swap3A_86 {strides = array<i32>} : memref<8x10000xf32, #tpu.memory_space<vmem>>, vector<1x16xf32>,
    %get3A_87 = arith.constant 6 : i32
    %get3A_88 = arith.index_cast %get3A_87 : i32 to index
    %get3A_89 = arith.constant 112 : index
    %get3A_90 = tpu.vector_load %arg8[%get3A_88, %get3A_89] {strides = array<i32>} : memref<64x128xf32, #tpu.memory_space<vmem>>, vector<1x16xf32>,
    %get3A_91 = vector.shape_cast %get3A_90 : vector<1x16xf32> to vector<16xf32>
    %swap3A_92 = arith.constant 6 : i32
    %swap3A_93 = arith.index_cast %swap3A_92 : i32 to index
    %swap3A_94 = arith.constant 9984 : index
    %swap3A_95 = tpu.vector_load %arg7[%swap3A_93, %swap3A_94] {strides = array<i32>} : memref<8x10000xf32, #tpu.memory_space<vmem>>, vector<1x16xf32>,
    %swap3A_96 = vector.shape_cast %swap3A_95 : vector<1x16xf32> to vector<16xf32>
    %swap3A_97 = vector.shape_cast %get3A_91 : vector<16xf32> to vector<1x16xf32>
    tpu.vector_store %arg7[%swap3A_93, %swap3A_94], %swap3A_97 {strides = array<i32>} : memref<8x10000xf32, #tpu.memory_space<vmem>>, vector<1x16xf32>,
    %get3A_98 = arith.constant 7 : i32
    %get3A_99 = arith.index_cast %get3A_98 : i32 to index
    %get3A_100 = arith.constant 112 : index
    %get3A_101 = tpu.vector_load %arg8[%get3A_99, %get3A_100] {strides = array<i32>} : memref<64x128xf32, #tpu.memory_space<vmem>>, vector<1x16xf32>,
    %get3A_102 = vector.shape_cast %get3A_101 : vector<1x16xf32> to vector<16xf32>
    %swap3A_103 = arith.constant 7 : i32
    %swap3A_104 = arith.index_cast %swap3A_103 : i32 to index
    %swap3A_105 = arith.constant 9984 : index
    %swap3A_106 = tpu.vector_load %arg7[%swap3A_104, %swap3A_105] {strides = array<i32>} : memref<8x10000xf32, #tpu.memory_space<vmem>>, vector<1x16xf32>,
    %swap3A_107 = vector.shape_cast %swap3A_106 : vector<1x16xf32> to vector<16xf32>
    %swap3A_108 = vector.shape_cast %get3A_102 : vector<16xf32> to vector<1x16xf32>
    tpu.vector_store %arg7[%swap3A_104, %swap3A_105], %swap3A_108 {strides = array<i32>} : memref<8x10000xf32, #tpu.memory_space<vmem>>, vector<1x16xf32>,
    %add3A_109 = arith.constant 0 : i32
    %add3A_110 = arith.addi %mul3A_2, %add3A_109 : i32
    "tpu.region"() ({
      %run_scoped3A = tpu.sem_alloc : memref<!tpu.dma_semaphore, #tpu.memory_space<semaphore_mem>>
      %dma_start3A_853 = arith.constant 0 : i32
      %dma_start3A_854 = tpu.memref_slice %arg5[%add3A_110, %dma_start3A_853] : memref<2048x10000xf32, #tpu.memory_space<hbm>> -> memref<8x10000xf32, #tpu.memory_space<hbm>>
      %dma_start3A_855 = arith.constant 0 : i32
      %dma_start3A_856 = tpu.memref_slice %arg5[%add3A_110, %dma_start3A_855] : memref<2048x10000xf32, #tpu.memory_space<hbm>> -> memref<8x10000xf32, #tpu.memory_space<hbm>>
      tpu.enqueue_dma source(%arg7 : memref<8x10000xf32, #tpu.memory_space<vmem>>) target(%dma_start3A_856 : memref<8x10000xf32, #tpu.memory_space<hbm>>) target_semaphore(%run_scoped3A : memref<!tpu.dma_semaphore, #tpu.memory_space<semaphore_mem>>)
      %dma_wait3A_857 = arith.constant 0 : i32
      %dma_wait3A_858 = tpu.memref_slice %arg5[%add3A_110, %dma_wait3A_857] : memref<2048x10000xf32, #tpu.memory_space<hbm>> -> memref<8x10000xf32, #tpu.memory_space<hbm>>
      %dma_wait3A_859 = arith.constant 0 : i32
      %dma_wait3A_860 = tpu.memref_slice %arg5[%add3A_110, %dma_wait3A_859] : memref<2048x10000xf32, #tpu.memory_space<hbm>> -> memref<8x10000xf32, #tpu.memory_space<hbm>>
      tpu.wait_dma2 semaphore(%run_scoped3A : memref<!tpu.dma_semaphore, #tpu.memory_space<semaphore_mem>>) src(%arg7 : memref<8x10000xf32, #tpu.memory_space<vmem>>) dst(%dma_wait3A_860 : memref<8x10000xf32, #tpu.memory_space<hbm>>)
      tpu.yield
    }) : () -> ()
    %dma_start3A_111 = arith.constant 0 : i32
    %dma_start3A_112 = arith.constant 0 : i32
    %dma_start3A_113 = tpu.memref_slice %arg7[%dma_start3A_111, %dma_start3A_112] : memref<8x10000xf32, #tpu.memory_space<vmem>> -> memref<8x9984xf32, #tpu.memory_space<vmem>>
    %dma_start3A_114 = arith.constant 8 : i32
    %dma_start3A_115 = tpu.memref_slice %arg6[%dma_start3A_114] : memref<64xi32, #tpu.memory_space<vmem>> -> memref<8xi32, #tpu.memory_space<vmem>>
    %dma_start3A_116 = arith.constant 0 : i32
    %dma_start3A_117 = arith.constant 0 : i32
    %dma_start3A_118 = tpu.memref_slice %arg2[%dma_start3A_116, %dma_start3A_117] : memref<10000x10000xf32, #tpu.memory_space<hbm>> -> memref<10000x9984xf32, #tpu.memory_space<hbm>>
    tpu.enqueue_indirect_dma source(%dma_start3A_118 : memref<10000x9984xf32, #tpu.memory_space<hbm>>) target(%dma_start3A_113 : memref<8x9984xf32, #tpu.memory_space<vmem>>) offsets(%dma_start3A_115 : memref<8xi32, #tpu.memory_space<vmem>>) semaphore(%arg9 : memref<!tpu.dma_semaphore, #tpu.memory_space<semaphore_mem>>)
    %dma_wait3A_119 = arith.constant 0 : i32
    %dma_wait3A_120 = arith.constant 0 : i32
    %dma_wait3A_121 = tpu.memref_slice %arg7[%dma_wait3A_119, %dma_wait3A_120] : memref<8x10000xf32, #tpu.memory_space<vmem>> -> memref<8x9984xf32, #tpu.memory_space<vmem>>
    %dma_wait3A_122 = arith.constant 8 : i32
    %dma_wait3A_123 = tpu.memref_slice %arg6[%dma_wait3A_122] : memref<64xi32, #tpu.memory_space<vmem>> -> memref<8xi32, #tpu.memory_space<vmem>>
    %dma_wait3A_124 = arith.constant 0 : i32
    %dma_wait3A_125 = arith.constant 0 : i32
    %dma_wait3A_126 = tpu.memref_slice %arg2[%dma_wait3A_124, %dma_wait3A_125] : memref<10000x10000xf32, #tpu.memory_space<hbm>> -> memref<10000x9984xf32, #tpu.memory_space<hbm>>
    tpu.wait_indirect_dma semaphore(%arg9 : memref<!tpu.dma_semaphore, #tpu.memory_space<semaphore_mem>>) src(%dma_wait3A_126 : memref<10000x9984xf32, #tpu.memory_space<hbm>>) dst(%dma_wait3A_121 : memref<8x9984xf32, #tpu.memory_space<vmem>>)
    %get3A_127 = arith.constant 8 : i32
    %get3A_128 = arith.index_cast %get3A_127 : i32 to index
    %get3A_129 = arith.constant 112 : index
    %get3A_130 = tpu.vector_load %arg8[%get3A_128, %get3A_129] {strides = array<i32>} : memref<64x128xf32, #tpu.memory_space<vmem>>, vector<1x16xf32>,
    %get3A_131 = vector.shape_cast %get3A_130 : vector<1x16xf32> to vector<16xf32>
    %swap3A_132 = arith.constant 0 : i32
    %swap3A_133 = arith.index_cast %swap3A_132 : i32 to index
    %swap3A_134 = arith.constant 9984 : index
    %swap3A_135 = tpu.vector_load %arg7[%swap3A_133, %swap3A_134] {strides = array<i32>} : memref<8x10000xf32, #tpu.memory_space<vmem>>, vector<1x16xf32>,
    %swap3A_136 = vector.shape_cast %swap3A_135 : vector<1x16xf32> to vector<16xf32>
    %swap3A_137 = vector.shape_cast %get3A_131 : vector<16xf32> to vector<1x16xf32>
    tpu.vector_store %arg7[%swap3A_133, %swap3A_134], %swap3A_137 {strides = array<i32>} : memref<8x10000xf32, #tpu.memory_space<vmem>>, vector<1x16xf32>,
    %get3A_138 = arith.constant 9 : i32
    %get3A_139 = arith.index_cast %get3A_138 : i32 to index
    %get3A_140 = arith.constant 112 : index
    %get3A_141 = tpu.vector_load %arg8[%get3A_139, %get3A_140] {strides = array<i32>} : memref<64x128xf32, #tpu.memory_space<vmem>>, vector<1x16xf32>,
    %get3A_142 = vector.shape_cast %get3A_141 : vector<1x16xf32> to vector<16xf32>
    %swap3A_143 = arith.constant 1 : i32
    %swap3A_144 = arith.index_cast %swap3A_143 : i32 to index
    %swap3A_145 = arith.constant 9984 : index
    %swap3A_146 = tpu.vector_load %arg7[%swap3A_144, %swap3A_145] {strides = array<i32>} : memref<8x10000xf32, #tpu.memory_space<vmem>>, vector<1x16xf32>,
    %swap3A_147 = vector.shape_cast %swap3A_146 : vector<1x16xf32> to vector<16xf32>
    %swap3A_148 = vector.shape_cast %get3A_142 : vector<16xf32> to vector<1x16xf32>
    tpu.vector_store %arg7[%swap3A_144, %swap3A_145], %swap3A_148 {strides = array<i32>} : memref<8x10000xf32, #tpu.memory_space<vmem>>, vector<1x16xf32>,
    %get3A_149 = arith.constant 10 : i32
    %get3A_150 = arith.index_cast %get3A_149 : i32 to index
    %get3A_151 = arith.constant 112 : index
    %get3A_152 = tpu.vector_load %arg8[%get3A_150, %get3A_151] {strides = array<i32>} : memref<64x128xf32, #tpu.memory_space<vmem>>, vector<1x16xf32>,
    %get3A_153 = vector.shape_cast %get3A_152 : vector<1x16xf32> to vector<16xf32>
    %swap3A_154 = arith.constant 2 : i32
    %swap3A_155 = arith.index_cast %swap3A_154 : i32 to index
    %swap3A_156 = arith.constant 9984 : index
    %swap3A_157 = tpu.vector_load %arg7[%swap3A_155, %swap3A_156] {strides = array<i32>} : memref<8x10000xf32, #tpu.memory_space<vmem>>, vector<1x16xf32>,
    %swap3A_158 = vector.shape_cast %swap3A_157 : vector<1x16xf32> to vector<16xf32>
    %swap3A_159 = vector.shape_cast %get3A_153 : vector<16xf32> to vector<1x16xf32>
    tpu.vector_store %arg7[%swap3A_155, %swap3A_156], %swap3A_159 {strides = array<i32>} : memref<8x10000xf32, #tpu.memory_space<vmem>>, vector<1x16xf32>,
    %get3A_160 = arith.constant 11 : i32
    %get3A_161 = arith.index_cast %get3A_160 : i32 to index
    %get3A_162 = arith.constant 112 : index
    %get3A_163 = tpu.vector_load %arg8[%get3A_161, %get3A_162] {strides = array<i32>} : memref<64x128xf32, #tpu.memory_space<vmem>>, vector<1x16xf32>,
    %get3A_164 = vector.shape_cast %get3A_163 : vector<1x16xf32> to vector<16xf32>
    %swap3A_165 = arith.constant 3 : i32
    %swap3A_166 = arith.index_cast %swap3A_165 : i32 to index
    %swap3A_167 = arith.constant 9984 : index
    %swap3A_168 = tpu.vector_load %arg7[%swap3A_166, %swap3A_167] {strides = array<i32>} : memref<8x10000xf32, #tpu.memory_space<vmem>>, vector<1x16xf32>,
    %swap3A_169 = vector.shape_cast %swap3A_168 : vector<1x16xf32> to vector<16xf32>
    %swap3A_170 = vector.shape_cast %get3A_164 : vector<16xf32> to vector<1x16xf32>
    tpu.vector_store %arg7[%swap3A_166, %swap3A_167], %swap3A_170 {strides = array<i32>} : memref<8x10000xf32, #tpu.memory_space<vmem>>, vector<1x16xf32>,
    %get3A_171 = arith.constant 12 : i32
    %get3A_172 = arith.index_cast %get3A_171 : i32 to index
    %get3A_173 = arith.constant 112 : index
    %get3A_174 = tpu.vector_load %arg8[%get3A_172, %get3A_173] {strides = array<i32>} : memref<64x128xf32, #tpu.memory_space<vmem>>, vector<1x16xf32>,
    %get3A_175 = vector.shape_cast %get3A_174 : vector<1x16xf32> to vector<16xf32>
    %swap3A_176 = arith.constant 4 : i32
    %swap3A_177 = arith.index_cast %swap3A_176 : i32 to index
    %swap3A_178 = arith.constant 9984 : index
    %swap3A_179 = tpu.vector_load %arg7[%swap3A_177, %swap3A_178] {strides = array<i32>} : memref<8x10000xf32, #tpu.memory_space<vmem>>, vector<1x16xf32>,
    %swap3A_180 = vector.shape_cast %swap3A_179 : vector<1x16xf32> to vector<16xf32>
    %swap3A_181 = vector.shape_cast %get3A_175 : vector<16xf32> to vector<1x16xf32>
    tpu.vector_store %arg7[%swap3A_177, %swap3A_178], %swap3A_181 {strides = array<i32>} : memref<8x10000xf32, #tpu.memory_space<vmem>>, vector<1x16xf32>,
    %get3A_182 = arith.constant 13 : i32
    %get3A_183 = arith.index_cast %get3A_182 : i32 to index
    %get3A_184 = arith.constant 112 : index
    %get3A_185 = tpu.vector_load %arg8[%get3A_183, %get3A_184] {strides = array<i32>} : memref<64x128xf32, #tpu.memory_space<vmem>>, vector<1x16xf32>,
    %get3A_186 = vector.shape_cast %get3A_185 : vector<1x16xf32> to vector<16xf32>
    %swap3A_187 = arith.constant 5 : i32
    %swap3A_188 = arith.index_cast %swap3A_187 : i32 to index
    %swap3A_189 = arith.constant 9984 : index
    %swap3A_190 = tpu.vector_load %arg7[%swap3A_188, %swap3A_189] {strides = array<i32>} : memref<8x10000xf32, #tpu.memory_space<vmem>>, vector<1x16xf32>,
    %swap3A_191 = vector.shape_cast %swap3A_190 : vector<1x16xf32> to vector<16xf32>
    %swap3A_192 = vector.shape_cast %get3A_186 : vector<16xf32> to vector<1x16xf32>
    tpu.vector_store %arg7[%swap3A_188, %swap3A_189], %swap3A_192 {strides = array<i32>} : memref<8x10000xf32, #tpu.memory_space<vmem>>, vector<1x16xf32>,
    %get3A_193 = arith.constant 14 : i32
    %get3A_194 = arith.index_cast %get3A_193 : i32 to index
    %get3A_195 = arith.constant 112 : index
    %get3A_196 = tpu.vector_load %arg8[%get3A_194, %get3A_195] {strides = array<i32>} : memref<64x128xf32, #tpu.memory_space<vmem>>, vector<1x16xf32>,
    %get3A_197 = vector.shape_cast %get3A_196 : vector<1x16xf32> to vector<16xf32>
    %swap3A_198 = arith.constant 6 : i32
    %swap3A_199 = arith.index_cast %swap3A_198 : i32 to index
    %swap3A_200 = arith.constant 9984 : index
    %swap3A_201 = tpu.vector_load %arg7[%swap3A_199, %swap3A_200] {strides = array<i32>} : memref<8x10000xf32, #tpu.memory_space<vmem>>, vector<1x16xf32>,
    %swap3A_202 = vector.shape_cast %swap3A_201 : vector<1x16xf32> to vector<16xf32>
    %swap3A_203 = vector.shape_cast %get3A_197 : vector<16xf32> to vector<1x16xf32>
    tpu.vector_store %arg7[%swap3A_199, %swap3A_200], %swap3A_203 {strides = array<i32>} : memref<8x10000xf32, #tpu.memory_space<vmem>>, vector<1x16xf32>,
    %get3A_204 = arith.constant 15 : i32
    %get3A_205 = arith.index_cast %get3A_204 : i32 to index
    %get3A_206 = arith.constant 112 : index
    %get3A_207 = tpu.vector_load %arg8[%get3A_205, %get3A_206] {strides = array<i32>} : memref<64x128xf32, #tpu.memory_space<vmem>>, vector<1x16xf32>,
    %get3A_208 = vector.shape_cast %get3A_207 : vector<1x16xf32> to vector<16xf32>
    %swap3A_209 = arith.constant 7 : i32
    %swap3A_210 = arith.index_cast %swap3A_209 : i32 to index
    %swap3A_211 = arith.constant 9984 : index
    %swap3A_212 = tpu.vector_load %arg7[%swap3A_210, %swap3A_211] {strides = array<i32>} : memref<8x10000xf32, #tpu.memory_space<vmem>>, vector<1x16xf32>,
    %swap3A_213 = vector.shape_cast %swap3A_212 : vector<1x16xf32> to vector<16xf32>
    %swap3A_214 = vector.shape_cast %get3A_208 : vector<16xf32> to vector<1x16xf32>
    tpu.vector_store %arg7[%swap3A_210, %swap3A_211], %swap3A_214 {strides = array<i32>} : memref<8x10000xf32, #tpu.memory_space<vmem>>, vector<1x16xf32>,
    %add3A_215 = arith.constant 8 : i32
    %add3A_216 = arith.addi %mul3A_2, %add3A_215 : i32
    "tpu.region"() ({
      %run_scoped3A = tpu.sem_alloc : memref<!tpu.dma_semaphore, #tpu.memory_space<semaphore_mem>>
      %dma_start3A_853 = arith.constant 0 : i32
      %dma_start3A_854 = tpu.memref_slice %arg5[%add3A_216, %dma_start3A_853] : memref<2048x10000xf32, #tpu.memory_space<hbm>> -> memref<8x10000xf32, #tpu.memory_space<hbm>>
      %dma_start3A_855 = arith.constant 0 : i32
      %dma_start3A_856 = tpu.memref_slice %arg5[%add3A_216, %dma_start3A_855] : memref<2048x10000xf32, #tpu.memory_space<hbm>> -> memref<8x10000xf32, #tpu.memory_space<hbm>>
      tpu.enqueue_dma source(%arg7 : memref<8x10000xf32, #tpu.memory_space<vmem>>) target(%dma_start3A_856 : memref<8x10000xf32, #tpu.memory_space<hbm>>) target_semaphore(%run_scoped3A : memref<!tpu.dma_semaphore, #tpu.memory_space<semaphore_mem>>)
      %dma_wait3A_857 = arith.constant 0 : i32
      %dma_wait3A_858 = tpu.memref_slice %arg5[%add3A_216, %dma_wait3A_857] : memref<2048x10000xf32, #tpu.memory_space<hbm>> -> memref<8x10000xf32, #tpu.memory_space<hbm>>
      %dma_wait3A_859 = arith.constant 0 : i32
      %dma_wait3A_860 = tpu.memref_slice %arg5[%add3A_216, %dma_wait3A_859] : memref<2048x10000xf32, #tpu.memory_space<hbm>> -> memref<8x10000xf32, #tpu.memory_space<hbm>>
      tpu.wait_dma2 semaphore(%run_scoped3A : memref<!tpu.dma_semaphore, #tpu.memory_space<semaphore_mem>>) src(%arg7 : memref<8x10000xf32, #tpu.memory_space<vmem>>) dst(%dma_wait3A_860 : memref<8x10000xf32, #tpu.memory_space<hbm>>)
      tpu.yield
    }) : () -> ()
    %dma_start3A_217 = arith.constant 0 : i32
    %dma_start3A_218 = arith.constant 0 : i32
    %dma_start3A_219 = tpu.memref_slice %arg7[%dma_start3A_217, %dma_start3A_218] : memref<8x10000xf32, #tpu.memory_space<vmem>> -> memref<8x9984xf32, #tpu.memory_space<vmem>>
    %dma_start3A_220 = arith.constant 16 : i32
    %dma_start3A_221 = tpu.memref_slice %arg6[%dma_start3A_220] : memref<64xi32, #tpu.memory_space<vmem>> -> memref<8xi32, #tpu.memory_space<vmem>>
    %dma_start3A_222 = arith.constant 0 : i32
    %dma_start3A_223 = arith.constant 0 : i32
    %dma_start3A_224 = tpu.memref_slice %arg2[%dma_start3A_222, %dma_start3A_223] : memref<10000x10000xf32, #tpu.memory_space<hbm>> -> memref<10000x9984xf32, #tpu.memory_space<hbm>>
    tpu.enqueue_indirect_dma source(%dma_start3A_224 : memref<10000x9984xf32, #tpu.memory_space<hbm>>) target(%dma_start3A_219 : memref<8x9984xf32, #tpu.memory_space<vmem>>) offsets(%dma_start3A_221 : memref<8xi32, #tpu.memory_space<vmem>>) semaphore(%arg9 : memref<!tpu.dma_semaphore, #tpu.memory_space<semaphore_mem>>)
    %dma_wait3A_225 = arith.constant 0 : i32
    %dma_wait3A_226 = arith.constant 0 : i32
    %dma_wait3A_227 = tpu.memref_slice %arg7[%dma_wait3A_225, %dma_wait3A_226] : memref<8x10000xf32, #tpu.memory_space<vmem>> -> memref<8x9984xf32, #tpu.memory_space<vmem>>
    %dma_wait3A_228 = arith.constant 16 : i32
    %dma_wait3A_229 = tpu.memref_slice %arg6[%dma_wait3A_228] : memref<64xi32, #tpu.memory_space<vmem>> -> memref<8xi32, #tpu.memory_space<vmem>>
    %dma_wait3A_230 = arith.constant 0 : i32
    %dma_wait3A_231 = arith.constant 0 : i32
    %dma_wait3A_232 = tpu.memref_slice %arg2[%dma_wait3A_230, %dma_wait3A_231] : memref<10000x10000xf32, #tpu.memory_space<hbm>> -> memref<10000x9984xf32, #tpu.memory_space<hbm>>
    tpu.wait_indirect_dma semaphore(%arg9 : memref<!tpu.dma_semaphore, #tpu.memory_space<semaphore_mem>>) src(%dma_wait3A_232 : memref<10000x9984xf32, #tpu.memory_space<hbm>>) dst(%dma_wait3A_227 : memref<8x9984xf32, #tpu.memory_space<vmem>>)
    %get3A_233 = arith.constant 16 : i32
    %get3A_234 = arith.index_cast %get3A_233 : i32 to index
    %get3A_235 = arith.constant 112 : index
    %get3A_236 = tpu.vector_load %arg8[%get3A_234, %get3A_235] {strides = array<i32>} : memref<64x128xf32, #tpu.memory_space<vmem>>, vector<1x16xf32>,
    %get3A_237 = vector.shape_cast %get3A_236 : vector<1x16xf32> to vector<16xf32>
    %swap3A_238 = arith.constant 0 : i32
    %swap3A_239 = arith.index_cast %swap3A_238 : i32 to index
    %swap3A_240 = arith.constant 9984 : index
    %swap3A_241 = tpu.vector_load %arg7[%swap3A_239, %swap3A_240] {strides = array<i32>} : memref<8x10000xf32, #tpu.memory_space<vmem>>, vector<1x16xf32>,
    %swap3A_242 = vector.shape_cast %swap3A_241 : vector<1x16xf32> to vector<16xf32>
    %swap3A_243 = vector.shape_cast %get3A_237 : vector<16xf32> to vector<1x16xf32>
    tpu.vector_store %arg7[%swap3A_239, %swap3A_240], %swap3A_243 {strides = array<i32>} : memref<8x10000xf32, #tpu.memory_space<vmem>>, vector<1x16xf32>,
    %get3A_244 = arith.constant 17 : i32
    %get3A_245 = arith.index_cast %get3A_244 : i32 to index
    %get3A_246 = arith.constant 112 : index
    %get3A_247 = tpu.vector_load %arg8[%get3A_245, %get3A_246] {strides = array<i32>} : memref<64x128xf32, #tpu.memory_space<vmem>>, vector<1x16xf32>,
    %get3A_248 = vector.shape_cast %get3A_247 : vector<1x16xf32> to vector<16xf32>
    %swap3A_249 = arith.constant 1 : i32
    %swap3A_250 = arith.index_cast %swap3A_249 : i32 to index
    %swap3A_251 = arith.constant 9984 : index
    %swap3A_252 = tpu.vector_load %arg7[%swap3A_250, %swap3A_251] {strides = array<i32>} : memref<8x10000xf32, #tpu.memory_space<vmem>>, vector<1x16xf32>,
    %swap3A_253 = vector.shape_cast %swap3A_252 : vector<1x16xf32> to vector<16xf32>
    %swap3A_254 = vector.shape_cast %get3A_248 : vector<16xf32> to vector<1x16xf32>
    tpu.vector_store %arg7[%swap3A_250, %swap3A_251], %swap3A_254 {strides = array<i32>} : memref<8x10000xf32, #tpu.memory_space<vmem>>, vector<1x16xf32>,
    %get3A_255 = arith.constant 18 : i32
    %get3A_256 = arith.index_cast %get3A_255 : i32 to index
    %get3A_257 = arith.constant 112 : index
    %get3A_258 = tpu.vector_load %arg8[%get3A_256, %get3A_257] {strides = array<i32>} : memref<64x128xf32, #tpu.memory_space<vmem>>, vector<1x16xf32>,
    %get3A_259 = vector.shape_cast %get3A_258 : vector<1x16xf32> to vector<16xf32>
    %swap3A_260 = arith.constant 2 : i32
    %swap3A_261 = arith.index_cast %swap3A_260 : i32 to index
    %swap3A_262 = arith.constant 9984 : index
    %swap3A_263 = tpu.vector_load %arg7[%swap3A_261, %swap3A_262] {strides = array<i32>} : memref<8x10000xf32, #tpu.memory_space<vmem>>, vector<1x16xf32>,
    %swap3A_264 = vector.shape_cast %swap3A_263 : vector<1x16xf32> to vector<16xf32>
    %swap3A_265 = vector.shape_cast %get3A_259 : vector<16xf32> to vector<1x16xf32>
    tpu.vector_store %arg7[%swap3A_261, %swap3A_262], %swap3A_265 {strides = array<i32>} : memref<8x10000xf32, #tpu.memory_space<vmem>>, vector<1x16xf32>,
    %get3A_266 = arith.constant 19 : i32
    %get3A_267 = arith.index_cast %get3A_266 : i32 to index
    %get3A_268 = arith.constant 112 : index
    %get3A_269 = tpu.vector_load %arg8[%get3A_267, %get3A_268] {strides = array<i32>} : memref<64x128xf32, #tpu.memory_space<vmem>>, vector<1x16xf32>,
    %get3A_270 = vector.shape_cast %get3A_269 : vector<1x16xf32> to vector<16xf32>
    %swap3A_271 = arith.constant 3 : i32
    %swap3A_272 = arith.index_cast %swap3A_271 : i32 to index
    %swap3A_273 = arith.constant 9984 : index
    %swap3A_274 = tpu.vector_load %arg7[%swap3A_272, %swap3A_273] {strides = array<i32>} : memref<8x10000xf32, #tpu.memory_space<vmem>>, vector<1x16xf32>,
    %swap3A_275 = vector.shape_cast %swap3A_274 : vector<1x16xf32> to vector<16xf32>
    %swap3A_276 = vector.shape_cast %get3A_270 : vector<16xf32> to vector<1x16xf32>
    tpu.vector_store %arg7[%swap3A_272, %swap3A_273], %swap3A_276 {strides = array<i32>} : memref<8x10000xf32, #tpu.memory_space<vmem>>, vector<1x16xf32>,
    %get3A_277 = arith.constant 20 : i32
    %get3A_278 = arith.index_cast %get3A_277 : i32 to index
    %get3A_279 = arith.constant 112 : index
    %get3A_280 = tpu.vector_load %arg8[%get3A_278, %get3A_279] {strides = array<i32>} : memref<64x128xf32, #tpu.memory_space<vmem>>, vector<1x16xf32>,
    %get3A_281 = vector.shape_cast %get3A_280 : vector<1x16xf32> to vector<16xf32>
    %swap3A_282 = arith.constant 4 : i32
    %swap3A_283 = arith.index_cast %swap3A_282 : i32 to index
    %swap3A_284 = arith.constant 9984 : index
    %swap3A_285 = tpu.vector_load %arg7[%swap3A_283, %swap3A_284] {strides = array<i32>} : memref<8x10000xf32, #tpu.memory_space<vmem>>, vector<1x16xf32>,
    %swap3A_286 = vector.shape_cast %swap3A_285 : vector<1x16xf32> to vector<16xf32>
    %swap3A_287 = vector.shape_cast %get3A_281 : vector<16xf32> to vector<1x16xf32>
    tpu.vector_store %arg7[%swap3A_283, %swap3A_284], %swap3A_287 {strides = array<i32>} : memref<8x10000xf32, #tpu.memory_space<vmem>>, vector<1x16xf32>,
    %get3A_288 = arith.constant 21 : i32
    %get3A_289 = arith.index_cast %get3A_288 : i32 to index
    %get3A_290 = arith.constant 112 : index
    %get3A_291 = tpu.vector_load %arg8[%get3A_289, %get3A_290] {strides = array<i32>} : memref<64x128xf32, #tpu.memory_space<vmem>>, vector<1x16xf32>,
    %get3A_292 = vector.shape_cast %get3A_291 : vector<1x16xf32> to vector<16xf32>
    %swap3A_293 = arith.constant 5 : i32
    %swap3A_294 = arith.index_cast %swap3A_293 : i32 to index
    %swap3A_295 = arith.constant 9984 : index
    %swap3A_296 = tpu.vector_load %arg7[%swap3A_294, %swap3A_295] {strides = array<i32>} : memref<8x10000xf32, #tpu.memory_space<vmem>>, vector<1x16xf32>,
    %swap3A_297 = vector.shape_cast %swap3A_296 : vector<1x16xf32> to vector<16xf32>
    %swap3A_298 = vector.shape_cast %get3A_292 : vector<16xf32> to vector<1x16xf32>
    tpu.vector_store %arg7[%swap3A_294, %swap3A_295], %swap3A_298 {strides = array<i32>} : memref<8x10000xf32, #tpu.memory_space<vmem>>, vector<1x16xf32>,
    %get3A_299 = arith.constant 22 : i32
    %get3A_300 = arith.index_cast %get3A_299 : i32 to index
    %get3A_301 = arith.constant 112 : index
    %get3A_302 = tpu.vector_load %arg8[%get3A_300, %get3A_301] {strides = array<i32>} : memref<64x128xf32, #tpu.memory_space<vmem>>, vector<1x16xf32>,
    %get3A_303 = vector.shape_cast %get3A_302 : vector<1x16xf32> to vector<16xf32>
    %swap3A_304 = arith.constant 6 : i32
    %swap3A_305 = arith.index_cast %swap3A_304 : i32 to index
    %swap3A_306 = arith.constant 9984 : index
    %swap3A_307 = tpu.vector_load %arg7[%swap3A_305, %swap3A_306] {strides = array<i32>} : memref<8x10000xf32, #tpu.memory_space<vmem>>, vector<1x16xf32>,
    %swap3A_308 = vector.shape_cast %swap3A_307 : vector<1x16xf32> to vector<16xf32>
    %swap3A_309 = vector.shape_cast %get3A_303 : vector<16xf32> to vector<1x16xf32>
    tpu.vector_store %arg7[%swap3A_305, %swap3A_306], %swap3A_309 {strides = array<i32>} : memref<8x10000xf32, #tpu.memory_space<vmem>>, vector<1x16xf32>,
    %get3A_310 = arith.constant 23 : i32
    %get3A_311 = arith.index_cast %get3A_310 : i32 to index
    %get3A_312 = arith.constant 112 : index
    %get3A_313 = tpu.vector_load %arg8[%get3A_311, %get3A_312] {strides = array<i32>} : memref<64x128xf32, #tpu.memory_space<vmem>>, vector<1x16xf32>,
    %get3A_314 = vector.shape_cast %get3A_313 : vector<1x16xf32> to vector<16xf32>
    %swap3A_315 = arith.constant 7 : i32
    %swap3A_316 = arith.index_cast %swap3A_315 : i32 to index
    %swap3A_317 = arith.constant 9984 : index
    %swap3A_318 = tpu.vector_load %arg7[%swap3A_316, %swap3A_317] {strides = array<i32>} : memref<8x10000xf32, #tpu.memory_space<vmem>>, vector<1x16xf32>,
    %swap3A_319 = vector.shape_cast %swap3A_318 : vector<1x16xf32> to vector<16xf32>
    %swap3A_320 = vector.shape_cast %get3A_314 : vector<16xf32> to vector<1x16xf32>
    tpu.vector_store %arg7[%swap3A_316, %swap3A_317], %swap3A_320 {strides = array<i32>} : memref<8x10000xf32, #tpu.memory_space<vmem>>, vector<1x16xf32>,
    %add3A_321 = arith.constant 16 : i32
    %add3A_322 = arith.addi %mul3A_2, %add3A_321 : i32
    "tpu.region"() ({
      %run_scoped3A = tpu.sem_alloc : memref<!tpu.dma_semaphore, #tpu.memory_space<semaphore_mem>>
      %dma_start3A_853 = arith.constant 0 : i32
      %dma_start3A_854 = tpu.memref_slice %arg5[%add3A_322, %dma_start3A_853] : memref<2048x10000xf32, #tpu.memory_space<hbm>> -> memref<8x10000xf32, #tpu.memory_space<hbm>>
      %dma_start3A_855 = arith.constant 0 : i32
      %dma_start3A_856 = tpu.memref_slice %arg5[%add3A_322, %dma_start3A_855] : memref<2048x10000xf32, #tpu.memory_space<hbm>> -> memref<8x10000xf32, #tpu.memory_space<hbm>>
      tpu.enqueue_dma source(%arg7 : memref<8x10000xf32, #tpu.memory_space<vmem>>) target(%dma_start3A_856 : memref<8x10000xf32, #tpu.memory_space<hbm>>) target_semaphore(%run_scoped3A : memref<!tpu.dma_semaphore, #tpu.memory_space<semaphore_mem>>)
      %dma_wait3A_857 = arith.constant 0 : i32
      %dma_wait3A_858 = tpu.memref_slice %arg5[%add3A_322, %dma_wait3A_857] : memref<2048x10000xf32, #tpu.memory_space<hbm>> -> memref<8x10000xf32, #tpu.memory_space<hbm>>
      %dma_wait3A_859 = arith.constant 0 : i32
      %dma_wait3A_860 = tpu.memref_slice %arg5[%add3A_322, %dma_wait3A_859] : memref<2048x10000xf32, #tpu.memory_space<hbm>> -> memref<8x10000xf32, #tpu.memory_space<hbm>>
      tpu.wait_dma2 semaphore(%run_scoped3A : memref<!tpu.dma_semaphore, #tpu.memory_space<semaphore_mem>>) src(%arg7 : memref<8x10000xf32, #tpu.memory_space<vmem>>) dst(%dma_wait3A_860 : memref<8x10000xf32, #tpu.memory_space<hbm>>)
      tpu.yield
    }) : () -> ()
    %dma_start3A_323 = arith.constant 0 : i32
    %dma_start3A_324 = arith.constant 0 : i32
    %dma_start3A_325 = tpu.memref_slice %arg7[%dma_start3A_323, %dma_start3A_324] : memref<8x10000xf32, #tpu.memory_space<vmem>> -> memref<8x9984xf32, #tpu.memory_space<vmem>>
    %dma_start3A_326 = arith.constant 24 : i32
    %dma_start3A_327 = tpu.memref_slice %arg6[%dma_start3A_326] : memref<64xi32, #tpu.memory_space<vmem>> -> memref<8xi32, #tpu.memory_space<vmem>>
    %dma_start3A_328 = arith.constant 0 : i32
    %dma_start3A_329 = arith.constant 0 : i32
    %dma_start3A_330 = tpu.memref_slice %arg2[%dma_start3A_328, %dma_start3A_329] : memref<10000x10000xf32, #tpu.memory_space<hbm>> -> memref<10000x9984xf32, #tpu.memory_space<hbm>>
    tpu.enqueue_indirect_dma source(%dma_start3A_330 : memref<10000x9984xf32, #tpu.memory_space<hbm>>) target(%dma_start3A_325 : memref<8x9984xf32, #tpu.memory_space<vmem>>) offsets(%dma_start3A_327 : memref<8xi32, #tpu.memory_space<vmem>>) semaphore(%arg9 : memref<!tpu.dma_semaphore, #tpu.memory_space<semaphore_mem>>)
    %dma_wait3A_331 = arith.constant 0 : i32
    %dma_wait3A_332 = arith.constant 0 : i32
    %dma_wait3A_333 = tpu.memref_slice %arg7[%dma_wait3A_331, %dma_wait3A_332] : memref<8x10000xf32, #tpu.memory_space<vmem>> -> memref<8x9984xf32, #tpu.memory_space<vmem>>
    %dma_wait3A_334 = arith.constant 24 : i32
    %dma_wait3A_335 = tpu.memref_slice %arg6[%dma_wait3A_334] : memref<64xi32, #tpu.memory_space<vmem>> -> memref<8xi32, #tpu.memory_space<vmem>>
    %dma_wait3A_336 = arith.constant 0 : i32
    %dma_wait3A_337 = arith.constant 0 : i32
    %dma_wait3A_338 = tpu.memref_slice %arg2[%dma_wait3A_336, %dma_wait3A_337] : memref<10000x10000xf32, #tpu.memory_space<hbm>> -> memref<10000x9984xf32, #tpu.memory_space<hbm>>
    tpu.wait_indirect_dma semaphore(%arg9 : memref<!tpu.dma_semaphore, #tpu.memory_space<semaphore_mem>>) src(%dma_wait3A_338 : memref<10000x9984xf32, #tpu.memory_space<hbm>>) dst(%dma_wait3A_333 : memref<8x9984xf32, #tpu.memory_space<vmem>>)
    %get3A_339 = arith.constant 24 : i32
    %get3A_340 = arith.index_cast %get3A_339 : i32 to index
    %get3A_341 = arith.constant 112 : index
    %get3A_342 = tpu.vector_load %arg8[%get3A_340, %get3A_341] {strides = array<i32>} : memref<64x128xf32, #tpu.memory_space<vmem>>, vector<1x16xf32>,
    %get3A_343 = vector.shape_cast %get3A_342 : vector<1x16xf32> to vector<16xf32>
    %swap3A_344 = arith.constant 0 : i32
    %swap3A_345 = arith.index_cast %swap3A_344 : i32 to index
    %swap3A_346 = arith.constant 9984 : index
    %swap3A_347 = tpu.vector_load %arg7[%swap3A_345, %swap3A_346] {strides = array<i32>} : memref<8x10000xf32, #tpu.memory_space<vmem>>, vector<1x16xf32>,
    %swap3A_348 = vector.shape_cast %swap3A_347 : vector<1x16xf32> to vector<16xf32>
    %swap3A_349 = vector.shape_cast %get3A_343 : vector<16xf32> to vector<1x16xf32>
    tpu.vector_store %arg7[%swap3A_345, %swap3A_346], %swap3A_349 {strides = array<i32>} : memref<8x10000xf32, #tpu.memory_space<vmem>>, vector<1x16xf32>,
    %get3A_350 = arith.constant 25 : i32
    %get3A_351 = arith.index_cast %get3A_350 : i32 to index
    %get3A_352 = arith.constant 112 : index
    %get3A_353 = tpu.vector_load %arg8[%get3A_351, %get3A_352] {strides = array<i32>} : memref<64x128xf32, #tpu.memory_space<vmem>>, vector<1x16xf32>,
    %get3A_354 = vector.shape_cast %get3A_353 : vector<1x16xf32> to vector<16xf32>
    %swap3A_355 = arith.constant 1 : i32
    %swap3A_356 = arith.index_cast %swap3A_355 : i32 to index
    %swap3A_357 = arith.constant 9984 : index
    %swap3A_358 = tpu.vector_load %arg7[%swap3A_356, %swap3A_357] {strides = array<i32>} : memref<8x10000xf32, #tpu.memory_space<vmem>>, vector<1x16xf32>,
    %swap3A_359 = vector.shape_cast %swap3A_358 : vector<1x16xf32> to vector<16xf32>
    %swap3A_360 = vector.shape_cast %get3A_354 : vector<16xf32> to vector<1x16xf32>
    tpu.vector_store %arg7[%swap3A_356, %swap3A_357], %swap3A_360 {strides = array<i32>} : memref<8x10000xf32, #tpu.memory_space<vmem>>, vector<1x16xf32>,
    %get3A_361 = arith.constant 26 : i32
    %get3A_362 = arith.index_cast %get3A_361 : i32 to index
    %get3A_363 = arith.constant 112 : index
    %get3A_364 = tpu.vector_load %arg8[%get3A_362, %get3A_363] {strides = array<i32>} : memref<64x128xf32, #tpu.memory_space<vmem>>, vector<1x16xf32>,
    %get3A_365 = vector.shape_cast %get3A_364 : vector<1x16xf32> to vector<16xf32>
    %swap3A_366 = arith.constant 2 : i32
    %swap3A_367 = arith.index_cast %swap3A_366 : i32 to index
    %swap3A_368 = arith.constant 9984 : index
    %swap3A_369 = tpu.vector_load %arg7[%swap3A_367, %swap3A_368] {strides = array<i32>} : memref<8x10000xf32, #tpu.memory_space<vmem>>, vector<1x16xf32>,
    %swap3A_370 = vector.shape_cast %swap3A_369 : vector<1x16xf32> to vector<16xf32>
    %swap3A_371 = vector.shape_cast %get3A_365 : vector<16xf32> to vector<1x16xf32>
    tpu.vector_store %arg7[%swap3A_367, %swap3A_368], %swap3A_371 {strides = array<i32>} : memref<8x10000xf32, #tpu.memory_space<vmem>>, vector<1x16xf32>,
    %get3A_372 = arith.constant 27 : i32
    %get3A_373 = arith.index_cast %get3A_372 : i32 to index
    %get3A_374 = arith.constant 112 : index
    %get3A_375 = tpu.vector_load %arg8[%get3A_373, %get3A_374] {strides = array<i32>} : memref<64x128xf32, #tpu.memory_space<vmem>>, vector<1x16xf32>,
    %get3A_376 = vector.shape_cast %get3A_375 : vector<1x16xf32> to vector<16xf32>
    %swap3A_377 = arith.constant 3 : i32
    %swap3A_378 = arith.index_cast %swap3A_377 : i32 to index
    %swap3A_379 = arith.constant 9984 : index
    %swap3A_380 = tpu.vector_load %arg7[%swap3A_378, %swap3A_379] {strides = array<i32>} : memref<8x10000xf32, #tpu.memory_space<vmem>>, vector<1x16xf32>,
    %swap3A_381 = vector.shape_cast %swap3A_380 : vector<1x16xf32> to vector<16xf32>
    %swap3A_382 = vector.shape_cast %get3A_376 : vector<16xf32> to vector<1x16xf32>
    tpu.vector_store %arg7[%swap3A_378, %swap3A_379], %swap3A_382 {strides = array<i32>} : memref<8x10000xf32, #tpu.memory_space<vmem>>, vector<1x16xf32>,
    %get3A_383 = arith.constant 28 : i32
    %get3A_384 = arith.index_cast %get3A_383 : i32 to index
    %get3A_385 = arith.constant 112 : index
    %get3A_386 = tpu.vector_load %arg8[%get3A_384, %get3A_385] {strides = array<i32>} : memref<64x128xf32, #tpu.memory_space<vmem>>, vector<1x16xf32>,
    %get3A_387 = vector.shape_cast %get3A_386 : vector<1x16xf32> to vector<16xf32>
    %swap3A_388 = arith.constant 4 : i32
    %swap3A_389 = arith.index_cast %swap3A_388 : i32 to index
    %swap3A_390 = arith.constant 9984 : index
    %swap3A_391 = tpu.vector_load %arg7[%swap3A_389, %swap3A_390] {strides = array<i32>} : memref<8x10000xf32, #tpu.memory_space<vmem>>, vector<1x16xf32>,
    %swap3A_392 = vector.shape_cast %swap3A_391 : vector<1x16xf32> to vector<16xf32>
    %swap3A_393 = vector.shape_cast %get3A_387 : vector<16xf32> to vector<1x16xf32>
    tpu.vector_store %arg7[%swap3A_389, %swap3A_390], %swap3A_393 {strides = array<i32>} : memref<8x10000xf32, #tpu.memory_space<vmem>>, vector<1x16xf32>,
    %get3A_394 = arith.constant 29 : i32
    %get3A_395 = arith.index_cast %get3A_394 : i32 to index
    %get3A_396 = arith.constant 112 : index
    %get3A_397 = tpu.vector_load %arg8[%get3A_395, %get3A_396] {strides = array<i32>} : memref<64x128xf32, #tpu.memory_space<vmem>>, vector<1x16xf32>,
    %get3A_398 = vector.shape_cast %get3A_397 : vector<1x16xf32> to vector<16xf32>
    %swap3A_399 = arith.constant 5 : i32
    %swap3A_400 = arith.index_cast %swap3A_399 : i32 to index
    %swap3A_401 = arith.constant 9984 : index
    %swap3A_402 = tpu.vector_load %arg7[%swap3A_400, %swap3A_401] {strides = array<i32>} : memref<8x10000xf32, #tpu.memory_space<vmem>>, vector<1x16xf32>,
    %swap3A_403 = vector.shape_cast %swap3A_402 : vector<1x16xf32> to vector<16xf32>
    %swap3A_404 = vector.shape_cast %get3A_398 : vector<16xf32> to vector<1x16xf32>
    tpu.vector_store %arg7[%swap3A_400, %swap3A_401], %swap3A_404 {strides = array<i32>} : memref<8x10000xf32, #tpu.memory_space<vmem>>, vector<1x16xf32>,
    %get3A_405 = arith.constant 30 : i32
    %get3A_406 = arith.index_cast %get3A_405 : i32 to index
    %get3A_407 = arith.constant 112 : index
    %get3A_408 = tpu.vector_load %arg8[%get3A_406, %get3A_407] {strides = array<i32>} : memref<64x128xf32, #tpu.memory_space<vmem>>, vector<1x16xf32>,
    %get3A_409 = vector.shape_cast %get3A_408 : vector<1x16xf32> to vector<16xf32>
    %swap3A_410 = arith.constant 6 : i32
    %swap3A_411 = arith.index_cast %swap3A_410 : i32 to index
    %swap3A_412 = arith.constant 9984 : index
    %swap3A_413 = tpu.vector_load %arg7[%swap3A_411, %swap3A_412] {strides = array<i32>} : memref<8x10000xf32, #tpu.memory_space<vmem>>, vector<1x16xf32>,
    %swap3A_414 = vector.shape_cast %swap3A_413 : vector<1x16xf32> to vector<16xf32>
    %swap3A_415 = vector.shape_cast %get3A_409 : vector<16xf32> to vector<1x16xf32>
    tpu.vector_store %arg7[%swap3A_411, %swap3A_412], %swap3A_415 {strides = array<i32>} : memref<8x10000xf32, #tpu.memory_space<vmem>>, vector<1x16xf32>,
    %get3A_416 = arith.constant 31 : i32
    %get3A_417 = arith.index_cast %get3A_416 : i32 to index
    %get3A_418 = arith.constant 112 : index
    %get3A_419 = tpu.vector_load %arg8[%get3A_417, %get3A_418] {strides = array<i32>} : memref<64x128xf32, #tpu.memory_space<vmem>>, vector<1x16xf32>,
    %get3A_420 = vector.shape_cast %get3A_419 : vector<1x16xf32> to vector<16xf32>
    %swap3A_421 = arith.constant 7 : i32
    %swap3A_422 = arith.index_cast %swap3A_421 : i32 to index
    %swap3A_423 = arith.constant 9984 : index
    %swap3A_424 = tpu.vector_load %arg7[%swap3A_422, %swap3A_423] {strides = array<i32>} : memref<8x10000xf32, #tpu.memory_space<vmem>>, vector<1x16xf32>,
    %swap3A_425 = vector.shape_cast %swap3A_424 : vector<1x16xf32> to vector<16xf32>
    %swap3A_426 = vector.shape_cast %get3A_420 : vector<16xf32> to vector<1x16xf32>
    tpu.vector_store %arg7[%swap3A_422, %swap3A_423], %swap3A_426 {strides = array<i32>} : memref<8x10000xf32, #tpu.memory_space<vmem>>, vector<1x16xf32>,
    %add3A_427 = arith.constant 24 : i32
    %add3A_428 = arith.addi %mul3A_2, %add3A_427 : i32
    "tpu.region"() ({
      %run_scoped3A = tpu.sem_alloc : memref<!tpu.dma_semaphore, #tpu.memory_space<semaphore_mem>>
      %dma_start3A_853 = arith.constant 0 : i32
      %dma_start3A_854 = tpu.memref_slice %arg5[%add3A_428, %dma_start3A_853] : memref<2048x10000xf32, #tpu.memory_space<hbm>> -> memref<8x10000xf32, #tpu.memory_space<hbm>>
      %dma_start3A_855 = arith.constant 0 : i32
      %dma_start3A_856 = tpu.memref_slice %arg5[%add3A_428, %dma_start3A_855] : memref<2048x10000xf32, #tpu.memory_space<hbm>> -> memref<8x10000xf32, #tpu.memory_space<hbm>>
      tpu.enqueue_dma source(%arg7 : memref<8x10000xf32, #tpu.memory_space<vmem>>) target(%dma_start3A_856 : memref<8x10000xf32, #tpu.memory_space<hbm>>) target_semaphore(%run_scoped3A : memref<!tpu.dma_semaphore, #tpu.memory_space<semaphore_mem>>)
      %dma_wait3A_857 = arith.constant 0 : i32
      %dma_wait3A_858 = tpu.memref_slice %arg5[%add3A_428, %dma_wait3A_857] : memref<2048x10000xf32, #tpu.memory_space<hbm>> -> memref<8x10000xf32, #tpu.memory_space<hbm>>
      %dma_wait3A_859 = arith.constant 0 : i32
      %dma_wait3A_860 = tpu.memref_slice %arg5[%add3A_428, %dma_wait3A_859] : memref<2048x10000xf32, #tpu.memory_space<hbm>> -> memref<8x10000xf32, #tpu.memory_space<hbm>>
      tpu.wait_dma2 semaphore(%run_scoped3A : memref<!tpu.dma_semaphore, #tpu.memory_space<semaphore_mem>>) src(%arg7 : memref<8x10000xf32, #tpu.memory_space<vmem>>) dst(%dma_wait3A_860 : memref<8x10000xf32, #tpu.memory_space<hbm>>)
      tpu.yield
    }) : () -> ()
    %dma_start3A_429 = arith.constant 0 : i32
    %dma_start3A_430 = arith.constant 0 : i32
    %dma_start3A_431 = tpu.memref_slice %arg7[%dma_start3A_429, %dma_start3A_430] : memref<8x10000xf32, #tpu.memory_space<vmem>> -> memref<8x9984xf32, #tpu.memory_space<vmem>>
    %dma_start3A_432 = arith.constant 32 : i32
    %dma_start3A_433 = tpu.memref_slice %arg6[%dma_start3A_432] : memref<64xi32, #tpu.memory_space<vmem>> -> memref<8xi32, #tpu.memory_space<vmem>>
    %dma_start3A_434 = arith.constant 0 : i32
    %dma_start3A_435 = arith.constant 0 : i32
    %dma_start3A_436 = tpu.memref_slice %arg2[%dma_start3A_434, %dma_start3A_435] : memref<10000x10000xf32, #tpu.memory_space<hbm>> -> memref<10000x9984xf32, #tpu.memory_space<hbm>>
    tpu.enqueue_indirect_dma source(%dma_start3A_436 : memref<10000x9984xf32, #tpu.memory_space<hbm>>) target(%dma_start3A_431 : memref<8x9984xf32, #tpu.memory_space<vmem>>) offsets(%dma_start3A_433 : memref<8xi32, #tpu.memory_space<vmem>>) semaphore(%arg9 : memref<!tpu.dma_semaphore, #tpu.memory_space<semaphore_mem>>)
    %dma_wait3A_437 = arith.constant 0 : i32
    %dma_wait3A_438 = arith.constant 0 : i32
    %dma_wait3A_439 = tpu.memref_slice %arg7[%dma_wait3A_437, %dma_wait3A_438] : memref<8x10000xf32, #tpu.memory_space<vmem>> -> memref<8x9984xf32, #tpu.memory_space<vmem>>
    %dma_wait3A_440 = arith.constant 32 : i32
    %dma_wait3A_441 = tpu.memref_slice %arg6[%dma_wait3A_440] : memref<64xi32, #tpu.memory_space<vmem>> -> memref<8xi32, #tpu.memory_space<vmem>>
    %dma_wait3A_442 = arith.constant 0 : i32
    %dma_wait3A_443 = arith.constant 0 : i32
    %dma_wait3A_444 = tpu.memref_slice %arg2[%dma_wait3A_442, %dma_wait3A_443] : memref<10000x10000xf32, #tpu.memory_space<hbm>> -> memref<10000x9984xf32, #tpu.memory_space<hbm>>
    tpu.wait_indirect_dma semaphore(%arg9 : memref<!tpu.dma_semaphore, #tpu.memory_space<semaphore_mem>>) src(%dma_wait3A_444 : memref<10000x9984xf32, #tpu.memory_space<hbm>>) dst(%dma_wait3A_439 : memref<8x9984xf32, #tpu.memory_space<vmem>>)
    %get3A_445 = arith.constant 32 : i32
    %get3A_446 = arith.index_cast %get3A_445 : i32 to index
    %get3A_447 = arith.constant 112 : index
    %get3A_448 = tpu.vector_load %arg8[%get3A_446, %get3A_447] {strides = array<i32>} : memref<64x128xf32, #tpu.memory_space<vmem>>, vector<1x16xf32>,
    %get3A_449 = vector.shape_cast %get3A_448 : vector<1x16xf32> to vector<16xf32>
    %swap3A_450 = arith.constant 0 : i32
    %swap3A_451 = arith.index_cast %swap3A_450 : i32 to index
    %swap3A_452 = arith.constant 9984 : index
    %swap3A_453 = tpu.vector_load %arg7[%swap3A_451, %swap3A_452] {strides = array<i32>} : memref<8x10000xf32, #tpu.memory_space<vmem>>, vector<1x16xf32>,
    %swap3A_454 = vector.shape_cast %swap3A_453 : vector<1x16xf32> to vector<16xf32>
    %swap3A_455 = vector.shape_cast %get3A_449 : vector<16xf32> to vector<1x16xf32>
    tpu.vector_store %arg7[%swap3A_451, %swap3A_452], %swap3A_455 {strides = array<i32>} : memref<8x10000xf32, #tpu.memory_space<vmem>>, vector<1x16xf32>,
    %get3A_456 = arith.constant 33 : i32
    %get3A_457 = arith.index_cast %get3A_456 : i32 to index
    %get3A_458 = arith.constant 112 : index
    %get3A_459 = tpu.vector_load %arg8[%get3A_457, %get3A_458] {strides = array<i32>} : memref<64x128xf32, #tpu.memory_space<vmem>>, vector<1x16xf32>,
    %get3A_460 = vector.shape_cast %get3A_459 : vector<1x16xf32> to vector<16xf32>
    %swap3A_461 = arith.constant 1 : i32
    %swap3A_462 = arith.index_cast %swap3A_461 : i32 to index
    %swap3A_463 = arith.constant 9984 : index
    %swap3A_464 = tpu.vector_load %arg7[%swap3A_462, %swap3A_463] {strides = array<i32>} : memref<8x10000xf32, #tpu.memory_space<vmem>>, vector<1x16xf32>,
    %swap3A_465 = vector.shape_cast %swap3A_464 : vector<1x16xf32> to vector<16xf32>
    %swap3A_466 = vector.shape_cast %get3A_460 : vector<16xf32> to vector<1x16xf32>
    tpu.vector_store %arg7[%swap3A_462, %swap3A_463], %swap3A_466 {strides = array<i32>} : memref<8x10000xf32, #tpu.memory_space<vmem>>, vector<1x16xf32>,
    %get3A_467 = arith.constant 34 : i32
    %get3A_468 = arith.index_cast %get3A_467 : i32 to index
    %get3A_469 = arith.constant 112 : index
    %get3A_470 = tpu.vector_load %arg8[%get3A_468, %get3A_469] {strides = array<i32>} : memref<64x128xf32, #tpu.memory_space<vmem>>, vector<1x16xf32>,
    %get3A_471 = vector.shape_cast %get3A_470 : vector<1x16xf32> to vector<16xf32>
    %swap3A_472 = arith.constant 2 : i32
    %swap3A_473 = arith.index_cast %swap3A_472 : i32 to index
    %swap3A_474 = arith.constant 9984 : index
    %swap3A_475 = tpu.vector_load %arg7[%swap3A_473, %swap3A_474] {strides = array<i32>} : memref<8x10000xf32, #tpu.memory_space<vmem>>, vector<1x16xf32>,
    %swap3A_476 = vector.shape_cast %swap3A_475 : vector<1x16xf32> to vector<16xf32>
    %swap3A_477 = vector.shape_cast %get3A_471 : vector<16xf32> to vector<1x16xf32>
    tpu.vector_store %arg7[%swap3A_473, %swap3A_474], %swap3A_477 {strides = array<i32>} : memref<8x10000xf32, #tpu.memory_space<vmem>>, vector<1x16xf32>,
    %get3A_478 = arith.constant 35 : i32
    %get3A_479 = arith.index_cast %get3A_478 : i32 to index
    %get3A_480 = arith.constant 112 : index
    %get3A_481 = tpu.vector_load %arg8[%get3A_479, %get3A_480] {strides = array<i32>} : memref<64x128xf32, #tpu.memory_space<vmem>>, vector<1x16xf32>,
    %get3A_482 = vector.shape_cast %get3A_481 : vector<1x16xf32> to vector<16xf32>
    %swap3A_483 = arith.constant 3 : i32
    %swap3A_484 = arith.index_cast %swap3A_483 : i32 to index
    %swap3A_485 = arith.constant 9984 : index
    %swap3A_486 = tpu.vector_load %arg7[%swap3A_484, %swap3A_485] {strides = array<i32>} : memref<8x10000xf32, #tpu.memory_space<vmem>>, vector<1x16xf32>,
    %swap3A_487 = vector.shape_cast %swap3A_486 : vector<1x16xf32> to vector<16xf32>
    %swap3A_488 = vector.shape_cast %get3A_482 : vector<16xf32> to vector<1x16xf32>
    tpu.vector_store %arg7[%swap3A_484, %swap3A_485], %swap3A_488 {strides = array<i32>} : memref<8x10000xf32, #tpu.memory_space<vmem>>, vector<1x16xf32>,
    %get3A_489 = arith.constant 36 : i32
    %get3A_490 = arith.index_cast %get3A_489 : i32 to index
    %get3A_491 = arith.constant 112 : index
    %get3A_492 = tpu.vector_load %arg8[%get3A_490, %get3A_491] {strides = array<i32>} : memref<64x128xf32, #tpu.memory_space<vmem>>, vector<1x16xf32>,
    %get3A_493 = vector.shape_cast %get3A_492 : vector<1x16xf32> to vector<16xf32>
    %swap3A_494 = arith.constant 4 : i32
    %swap3A_495 = arith.index_cast %swap3A_494 : i32 to index
    %swap3A_496 = arith.constant 9984 : index
    %swap3A_497 = tpu.vector_load %arg7[%swap3A_495, %swap3A_496] {strides = array<i32>} : memref<8x10000xf32, #tpu.memory_space<vmem>>, vector<1x16xf32>,
    %swap3A_498 = vector.shape_cast %swap3A_497 : vector<1x16xf32> to vector<16xf32>
    %swap3A_499 = vector.shape_cast %get3A_493 : vector<16xf32> to vector<1x16xf32>
    tpu.vector_store %arg7[%swap3A_495, %swap3A_496], %swap3A_499 {strides = array<i32>} : memref<8x10000xf32, #tpu.memory_space<vmem>>, vector<1x16xf32>,
    %get3A_500 = arith.constant 37 : i32
    %get3A_501 = arith.index_cast %get3A_500 : i32 to index
    %get3A_502 = arith.constant 112 : index
    %get3A_503 = tpu.vector_load %arg8[%get3A_501, %get3A_502] {strides = array<i32>} : memref<64x128xf32, #tpu.memory_space<vmem>>, vector<1x16xf32>,
    %get3A_504 = vector.shape_cast %get3A_503 : vector<1x16xf32> to vector<16xf32>
    %swap3A_505 = arith.constant 5 : i32
    %swap3A_506 = arith.index_cast %swap3A_505 : i32 to index
    %swap3A_507 = arith.constant 9984 : index
    %swap3A_508 = tpu.vector_load %arg7[%swap3A_506, %swap3A_507] {strides = array<i32>} : memref<8x10000xf32, #tpu.memory_space<vmem>>, vector<1x16xf32>,
    %swap3A_509 = vector.shape_cast %swap3A_508 : vector<1x16xf32> to vector<16xf32>
    %swap3A_510 = vector.shape_cast %get3A_504 : vector<16xf32> to vector<1x16xf32>
    tpu.vector_store %arg7[%swap3A_506, %swap3A_507], %swap3A_510 {strides = array<i32>} : memref<8x10000xf32, #tpu.memory_space<vmem>>, vector<1x16xf32>,
    %get3A_511 = arith.constant 38 : i32
    %get3A_512 = arith.index_cast %get3A_511 : i32 to index
    %get3A_513 = arith.constant 112 : index
    %get3A_514 = tpu.vector_load %arg8[%get3A_512, %get3A_513] {strides = array<i32>} : memref<64x128xf32, #tpu.memory_space<vmem>>, vector<1x16xf32>,
    %get3A_515 = vector.shape_cast %get3A_514 : vector<1x16xf32> to vector<16xf32>
    %swap3A_516 = arith.constant 6 : i32
    %swap3A_517 = arith.index_cast %swap3A_516 : i32 to index
    %swap3A_518 = arith.constant 9984 : index
    %swap3A_519 = tpu.vector_load %arg7[%swap3A_517, %swap3A_518] {strides = array<i32>} : memref<8x10000xf32, #tpu.memory_space<vmem>>, vector<1x16xf32>,
    %swap3A_520 = vector.shape_cast %swap3A_519 : vector<1x16xf32> to vector<16xf32>
    %swap3A_521 = vector.shape_cast %get3A_515 : vector<16xf32> to vector<1x16xf32>
    tpu.vector_store %arg7[%swap3A_517, %swap3A_518], %swap3A_521 {strides = array<i32>} : memref<8x10000xf32, #tpu.memory_space<vmem>>, vector<1x16xf32>,
    %get3A_522 = arith.constant 39 : i32
    %get3A_523 = arith.index_cast %get3A_522 : i32 to index
    %get3A_524 = arith.constant 112 : index
    %get3A_525 = tpu.vector_load %arg8[%get3A_523, %get3A_524] {strides = array<i32>} : memref<64x128xf32, #tpu.memory_space<vmem>>, vector<1x16xf32>,
    %get3A_526 = vector.shape_cast %get3A_525 : vector<1x16xf32> to vector<16xf32>
    %swap3A_527 = arith.constant 7 : i32
    %swap3A_528 = arith.index_cast %swap3A_527 : i32 to index
    %swap3A_529 = arith.constant 9984 : index
    %swap3A_530 = tpu.vector_load %arg7[%swap3A_528, %swap3A_529] {strides = array<i32>} : memref<8x10000xf32, #tpu.memory_space<vmem>>, vector<1x16xf32>,
    %swap3A_531 = vector.shape_cast %swap3A_530 : vector<1x16xf32> to vector<16xf32>
    %swap3A_532 = vector.shape_cast %get3A_526 : vector<16xf32> to vector<1x16xf32>
    tpu.vector_store %arg7[%swap3A_528, %swap3A_529], %swap3A_532 {strides = array<i32>} : memref<8x10000xf32, #tpu.memory_space<vmem>>, vector<1x16xf32>,
    %add3A_533 = arith.constant 32 : i32
    %add3A_534 = arith.addi %mul3A_2, %add3A_533 : i32
    "tpu.region"() ({
      %run_scoped3A = tpu.sem_alloc : memref<!tpu.dma_semaphore, #tpu.memory_space<semaphore_mem>>
      %dma_start3A_853 = arith.constant 0 : i32
      %dma_start3A_854 = tpu.memref_slice %arg5[%add3A_534, %dma_start3A_853] : memref<2048x10000xf32, #tpu.memory_space<hbm>> -> memref<8x10000xf32, #tpu.memory_space<hbm>>
      %dma_start3A_855 = arith.constant 0 : i32
      %dma_start3A_856 = tpu.memref_slice %arg5[%add3A_534, %dma_start3A_855] : memref<2048x10000xf32, #tpu.memory_space<hbm>> -> memref<8x10000xf32, #tpu.memory_space<hbm>>
      tpu.enqueue_dma source(%arg7 : memref<8x10000xf32, #tpu.memory_space<vmem>>) target(%dma_start3A_856 : memref<8x10000xf32, #tpu.memory_space<hbm>>) target_semaphore(%run_scoped3A : memref<!tpu.dma_semaphore, #tpu.memory_space<semaphore_mem>>)
      %dma_wait3A_857 = arith.constant 0 : i32
      %dma_wait3A_858 = tpu.memref_slice %arg5[%add3A_534, %dma_wait3A_857] : memref<2048x10000xf32, #tpu.memory_space<hbm>> -> memref<8x10000xf32, #tpu.memory_space<hbm>>
      %dma_wait3A_859 = arith.constant 0 : i32
      %dma_wait3A_860 = tpu.memref_slice %arg5[%add3A_534, %dma_wait3A_859] : memref<2048x10000xf32, #tpu.memory_space<hbm>> -> memref<8x10000xf32, #tpu.memory_space<hbm>>
      tpu.wait_dma2 semaphore(%run_scoped3A : memref<!tpu.dma_semaphore, #tpu.memory_space<semaphore_mem>>) src(%arg7 : memref<8x10000xf32, #tpu.memory_space<vmem>>) dst(%dma_wait3A_860 : memref<8x10000xf32, #tpu.memory_space<hbm>>)
      tpu.yield
    }) : () -> ()
    %dma_start3A_535 = arith.constant 0 : i32
    %dma_start3A_536 = arith.constant 0 : i32
    %dma_start3A_537 = tpu.memref_slice %arg7[%dma_start3A_535, %dma_start3A_536] : memref<8x10000xf32, #tpu.memory_space<vmem>> -> memref<8x9984xf32, #tpu.memory_space<vmem>>
    %dma_start3A_538 = arith.constant 40 : i32
    %dma_start3A_539 = tpu.memref_slice %arg6[%dma_start3A_538] : memref<64xi32, #tpu.memory_space<vmem>> -> memref<8xi32, #tpu.memory_space<vmem>>
    %dma_start3A_540 = arith.constant 0 : i32
    %dma_start3A_541 = arith.constant 0 : i32
    %dma_start3A_542 = tpu.memref_slice %arg2[%dma_start3A_540, %dma_start3A_541] : memref<10000x10000xf32, #tpu.memory_space<hbm>> -> memref<10000x9984xf32, #tpu.memory_space<hbm>>
    tpu.enqueue_indirect_dma source(%dma_start3A_542 : memref<10000x9984xf32, #tpu.memory_space<hbm>>) target(%dma_start3A_537 : memref<8x9984xf32, #tpu.memory_space<vmem>>) offsets(%dma_start3A_539 : memref<8xi32, #tpu.memory_space<vmem>>) semaphore(%arg9 : memref<!tpu.dma_semaphore, #tpu.memory_space<semaphore_mem>>)
    %dma_wait3A_543 = arith.constant 0 : i32
    %dma_wait3A_544 = arith.constant 0 : i32
    %dma_wait3A_545 = tpu.memref_slice %arg7[%dma_wait3A_543, %dma_wait3A_544] : memref<8x10000xf32, #tpu.memory_space<vmem>> -> memref<8x9984xf32, #tpu.memory_space<vmem>>
    %dma_wait3A_546 = arith.constant 40 : i32
    %dma_wait3A_547 = tpu.memref_slice %arg6[%dma_wait3A_546] : memref<64xi32, #tpu.memory_space<vmem>> -> memref<8xi32, #tpu.memory_space<vmem>>
    %dma_wait3A_548 = arith.constant 0 : i32
    %dma_wait3A_549 = arith.constant 0 : i32
    %dma_wait3A_550 = tpu.memref_slice %arg2[%dma_wait3A_548, %dma_wait3A_549] : memref<10000x10000xf32, #tpu.memory_space<hbm>> -> memref<10000x9984xf32, #tpu.memory_space<hbm>>
    tpu.wait_indirect_dma semaphore(%arg9 : memref<!tpu.dma_semaphore, #tpu.memory_space<semaphore_mem>>) src(%dma_wait3A_550 : memref<10000x9984xf32, #tpu.memory_space<hbm>>) dst(%dma_wait3A_545 : memref<8x9984xf32, #tpu.memory_space<vmem>>)
    %get3A_551 = arith.constant 40 : i32
    %get3A_552 = arith.index_cast %get3A_551 : i32 to index
    %get3A_553 = arith.constant 112 : index
    %get3A_554 = tpu.vector_load %arg8[%get3A_552, %get3A_553] {strides = array<i32>} : memref<64x128xf32, #tpu.memory_space<vmem>>, vector<1x16xf32>,
    %get3A_555 = vector.shape_cast %get3A_554 : vector<1x16xf32> to vector<16xf32>
    %swap3A_556 = arith.constant 0 : i32
    %swap3A_557 = arith.index_cast %swap3A_556 : i32 to index
    %swap3A_558 = arith.constant 9984 : index
    %swap3A_559 = tpu.vector_load %arg7[%swap3A_557, %swap3A_558] {strides = array<i32>} : memref<8x10000xf32, #tpu.memory_space<vmem>>, vector<1x16xf32>,
    %swap3A_560 = vector.shape_cast %swap3A_559 : vector<1x16xf32> to vector<16xf32>
    %swap3A_561 = vector.shape_cast %get3A_555 : vector<16xf32> to vector<1x16xf32>
    tpu.vector_store %arg7[%swap3A_557, %swap3A_558], %swap3A_561 {strides = array<i32>} : memref<8x10000xf32, #tpu.memory_space<vmem>>, vector<1x16xf32>,
    %get3A_562 = arith.constant 41 : i32
    %get3A_563 = arith.index_cast %get3A_562 : i32 to index
    %get3A_564 = arith.constant 112 : index
    %get3A_565 = tpu.vector_load %arg8[%get3A_563, %get3A_564] {strides = array<i32>} : memref<64x128xf32, #tpu.memory_space<vmem>>, vector<1x16xf32>,
    %get3A_566 = vector.shape_cast %get3A_565 : vector<1x16xf32> to vector<16xf32>
    %swap3A_567 = arith.constant 1 : i32
    %swap3A_568 = arith.index_cast %swap3A_567 : i32 to index
    %swap3A_569 = arith.constant 9984 : index
    %swap3A_570 = tpu.vector_load %arg7[%swap3A_568, %swap3A_569] {strides = array<i32>} : memref<8x10000xf32, #tpu.memory_space<vmem>>, vector<1x16xf32>,
    %swap3A_571 = vector.shape_cast %swap3A_570 : vector<1x16xf32> to vector<16xf32>
    %swap3A_572 = vector.shape_cast %get3A_566 : vector<16xf32> to vector<1x16xf32>
    tpu.vector_store %arg7[%swap3A_568, %swap3A_569], %swap3A_572 {strides = array<i32>} : memref<8x10000xf32, #tpu.memory_space<vmem>>, vector<1x16xf32>,
    %get3A_573 = arith.constant 42 : i32
    %get3A_574 = arith.index_cast %get3A_573 : i32 to index
    %get3A_575 = arith.constant 112 : index
    %get3A_576 = tpu.vector_load %arg8[%get3A_574, %get3A_575] {strides = array<i32>} : memref<64x128xf32, #tpu.memory_space<vmem>>, vector<1x16xf32>,
    %get3A_577 = vector.shape_cast %get3A_576 : vector<1x16xf32> to vector<16xf32>
    %swap3A_578 = arith.constant 2 : i32
    %swap3A_579 = arith.index_cast %swap3A_578 : i32 to index
    %swap3A_580 = arith.constant 9984 : index
    %swap3A_581 = tpu.vector_load %arg7[%swap3A_579, %swap3A_580] {strides = array<i32>} : memref<8x10000xf32, #tpu.memory_space<vmem>>, vector<1x16xf32>,
    %swap3A_582 = vector.shape_cast %swap3A_581 : vector<1x16xf32> to vector<16xf32>
    %swap3A_583 = vector.shape_cast %get3A_577 : vector<16xf32> to vector<1x16xf32>
    tpu.vector_store %arg7[%swap3A_579, %swap3A_580], %swap3A_583 {strides = array<i32>} : memref<8x10000xf32, #tpu.memory_space<vmem>>, vector<1x16xf32>,
    %get3A_584 = arith.constant 43 : i32
    %get3A_585 = arith.index_cast %get3A_584 : i32 to index
    %get3A_586 = arith.constant 112 : index
    %get3A_587 = tpu.vector_load %arg8[%get3A_585, %get3A_586] {strides = array<i32>} : memref<64x128xf32, #tpu.memory_space<vmem>>, vector<1x16xf32>,
    %get3A_588 = vector.shape_cast %get3A_587 : vector<1x16xf32> to vector<16xf32>
    %swap3A_589 = arith.constant 3 : i32
    %swap3A_590 = arith.index_cast %swap3A_589 : i32 to index
    %swap3A_591 = arith.constant 9984 : index
    %swap3A_592 = tpu.vector_load %arg7[%swap3A_590, %swap3A_591] {strides = array<i32>} : memref<8x10000xf32, #tpu.memory_space<vmem>>, vector<1x16xf32>,
    %swap3A_593 = vector.shape_cast %swap3A_592 : vector<1x16xf32> to vector<16xf32>
    %swap3A_594 = vector.shape_cast %get3A_588 : vector<16xf32> to vector<1x16xf32>
    tpu.vector_store %arg7[%swap3A_590, %swap3A_591], %swap3A_594 {strides = array<i32>} : memref<8x10000xf32, #tpu.memory_space<vmem>>, vector<1x16xf32>,
    %get3A_595 = arith.constant 44 : i32
    %get3A_596 = arith.index_cast %get3A_595 : i32 to index
    %get3A_597 = arith.constant 112 : index
    %get3A_598 = tpu.vector_load %arg8[%get3A_596, %get3A_597] {strides = array<i32>} : memref<64x128xf32, #tpu.memory_space<vmem>>, vector<1x16xf32>,
    %get3A_599 = vector.shape_cast %get3A_598 : vector<1x16xf32> to vector<16xf32>
    %swap3A_600 = arith.constant 4 : i32
    %swap3A_601 = arith.index_cast %swap3A_600 : i32 to index
    %swap3A_602 = arith.constant 9984 : index
    %swap3A_603 = tpu.vector_load %arg7[%swap3A_601, %swap3A_602] {strides = array<i32>} : memref<8x10000xf32, #tpu.memory_space<vmem>>, vector<1x16xf32>,
    %swap3A_604 = vector.shape_cast %swap3A_603 : vector<1x16xf32> to vector<16xf32>
    %swap3A_605 = vector.shape_cast %get3A_599 : vector<16xf32> to vector<1x16xf32>
    tpu.vector_store %arg7[%swap3A_601, %swap3A_602], %swap3A_605 {strides = array<i32>} : memref<8x10000xf32, #tpu.memory_space<vmem>>, vector<1x16xf32>,
    %get3A_606 = arith.constant 45 : i32
    %get3A_607 = arith.index_cast %get3A_606 : i32 to index
    %get3A_608 = arith.constant 112 : index
    %get3A_609 = tpu.vector_load %arg8[%get3A_607, %get3A_608] {strides = array<i32>} : memref<64x128xf32, #tpu.memory_space<vmem>>, vector<1x16xf32>,
    %get3A_610 = vector.shape_cast %get3A_609 : vector<1x16xf32> to vector<16xf32>
    %swap3A_611 = arith.constant 5 : i32
    %swap3A_612 = arith.index_cast %swap3A_611 : i32 to index
    %swap3A_613 = arith.constant 9984 : index
    %swap3A_614 = tpu.vector_load %arg7[%swap3A_612, %swap3A_613] {strides = array<i32>} : memref<8x10000xf32, #tpu.memory_space<vmem>>, vector<1x16xf32>,
    %swap3A_615 = vector.shape_cast %swap3A_614 : vector<1x16xf32> to vector<16xf32>
    %swap3A_616 = vector.shape_cast %get3A_610 : vector<16xf32> to vector<1x16xf32>
    tpu.vector_store %arg7[%swap3A_612, %swap3A_613], %swap3A_616 {strides = array<i32>} : memref<8x10000xf32, #tpu.memory_space<vmem>>, vector<1x16xf32>,
    %get3A_617 = arith.constant 46 : i32
    %get3A_618 = arith.index_cast %get3A_617 : i32 to index
    %get3A_619 = arith.constant 112 : index
    %get3A_620 = tpu.vector_load %arg8[%get3A_618, %get3A_619] {strides = array<i32>} : memref<64x128xf32, #tpu.memory_space<vmem>>, vector<1x16xf32>,
    %get3A_621 = vector.shape_cast %get3A_620 : vector<1x16xf32> to vector<16xf32>
    %swap3A_622 = arith.constant 6 : i32
    %swap3A_623 = arith.index_cast %swap3A_622 : i32 to index
    %swap3A_624 = arith.constant 9984 : index
    %swap3A_625 = tpu.vector_load %arg7[%swap3A_623, %swap3A_624] {strides = array<i32>} : memref<8x10000xf32, #tpu.memory_space<vmem>>, vector<1x16xf32>,
    %swap3A_626 = vector.shape_cast %swap3A_625 : vector<1x16xf32> to vector<16xf32>
    %swap3A_627 = vector.shape_cast %get3A_621 : vector<16xf32> to vector<1x16xf32>
    tpu.vector_store %arg7[%swap3A_623, %swap3A_624], %swap3A_627 {strides = array<i32>} : memref<8x10000xf32, #tpu.memory_space<vmem>>, vector<1x16xf32>,
    %get3A_628 = arith.constant 47 : i32
    %get3A_629 = arith.index_cast %get3A_628 : i32 to index
    %get3A_630 = arith.constant 112 : index
    %get3A_631 = tpu.vector_load %arg8[%get3A_629, %get3A_630] {strides = array<i32>} : memref<64x128xf32, #tpu.memory_space<vmem>>, vector<1x16xf32>,
    %get3A_632 = vector.shape_cast %get3A_631 : vector<1x16xf32> to vector<16xf32>
    %swap3A_633 = arith.constant 7 : i32
    %swap3A_634 = arith.index_cast %swap3A_633 : i32 to index
    %swap3A_635 = arith.constant 9984 : index
    %swap3A_636 = tpu.vector_load %arg7[%swap3A_634, %swap3A_635] {strides = array<i32>} : memref<8x10000xf32, #tpu.memory_space<vmem>>, vector<1x16xf32>,
    %swap3A_637 = vector.shape_cast %swap3A_636 : vector<1x16xf32> to vector<16xf32>
    %swap3A_638 = vector.shape_cast %get3A_632 : vector<16xf32> to vector<1x16xf32>
    tpu.vector_store %arg7[%swap3A_634, %swap3A_635], %swap3A_638 {strides = array<i32>} : memref<8x10000xf32, #tpu.memory_space<vmem>>, vector<1x16xf32>,
    %add3A_639 = arith.constant 40 : i32
    %add3A_640 = arith.addi %mul3A_2, %add3A_639 : i32
    "tpu.region"() ({
      %run_scoped3A = tpu.sem_alloc : memref<!tpu.dma_semaphore, #tpu.memory_space<semaphore_mem>>
      %dma_start3A_853 = arith.constant 0 : i32
      %dma_start3A_854 = tpu.memref_slice %arg5[%add3A_640, %dma_start3A_853] : memref<2048x10000xf32, #tpu.memory_space<hbm>> -> memref<8x10000xf32, #tpu.memory_space<hbm>>
      %dma_start3A_855 = arith.constant 0 : i32
      %dma_start3A_856 = tpu.memref_slice %arg5[%add3A_640, %dma_start3A_855] : memref<2048x10000xf32, #tpu.memory_space<hbm>> -> memref<8x10000xf32, #tpu.memory_space<hbm>>
      tpu.enqueue_dma source(%arg7 : memref<8x10000xf32, #tpu.memory_space<vmem>>) target(%dma_start3A_856 : memref<8x10000xf32, #tpu.memory_space<hbm>>) target_semaphore(%run_scoped3A : memref<!tpu.dma_semaphore, #tpu.memory_space<semaphore_mem>>)
      %dma_wait3A_857 = arith.constant 0 : i32
      %dma_wait3A_858 = tpu.memref_slice %arg5[%add3A_640, %dma_wait3A_857] : memref<2048x10000xf32, #tpu.memory_space<hbm>> -> memref<8x10000xf32, #tpu.memory_space<hbm>>
      %dma_wait3A_859 = arith.constant 0 : i32
      %dma_wait3A_860 = tpu.memref_slice %arg5[%add3A_640, %dma_wait3A_859] : memref<2048x10000xf32, #tpu.memory_space<hbm>> -> memref<8x10000xf32, #tpu.memory_space<hbm>>
      tpu.wait_dma2 semaphore(%run_scoped3A : memref<!tpu.dma_semaphore, #tpu.memory_space<semaphore_mem>>) src(%arg7 : memref<8x10000xf32, #tpu.memory_space<vmem>>) dst(%dma_wait3A_860 : memref<8x10000xf32, #tpu.memory_space<hbm>>)
      tpu.yield
    }) : () -> ()
    %dma_start3A_641 = arith.constant 0 : i32
    %dma_start3A_642 = arith.constant 0 : i32
    %dma_start3A_643 = tpu.memref_slice %arg7[%dma_start3A_641, %dma_start3A_642] : memref<8x10000xf32, #tpu.memory_space<vmem>> -> memref<8x9984xf32, #tpu.memory_space<vmem>>
    %dma_start3A_644 = arith.constant 48 : i32
    %dma_start3A_645 = tpu.memref_slice %arg6[%dma_start3A_644] : memref<64xi32, #tpu.memory_space<vmem>> -> memref<8xi32, #tpu.memory_space<vmem>>
    %dma_start3A_646 = arith.constant 0 : i32
    %dma_start3A_647 = arith.constant 0 : i32
    %dma_start3A_648 = tpu.memref_slice %arg2[%dma_start3A_646, %dma_start3A_647] : memref<10000x10000xf32, #tpu.memory_space<hbm>> -> memref<10000x9984xf32, #tpu.memory_space<hbm>>
    tpu.enqueue_indirect_dma source(%dma_start3A_648 : memref<10000x9984xf32, #tpu.memory_space<hbm>>) target(%dma_start3A_643 : memref<8x9984xf32, #tpu.memory_space<vmem>>) offsets(%dma_start3A_645 : memref<8xi32, #tpu.memory_space<vmem>>) semaphore(%arg9 : memref<!tpu.dma_semaphore, #tpu.memory_space<semaphore_mem>>)
    %dma_wait3A_649 = arith.constant 0 : i32
    %dma_wait3A_650 = arith.constant 0 : i32
    %dma_wait3A_651 = tpu.memref_slice %arg7[%dma_wait3A_649, %dma_wait3A_650] : memref<8x10000xf32, #tpu.memory_space<vmem>> -> memref<8x9984xf32, #tpu.memory_space<vmem>>
    %dma_wait3A_652 = arith.constant 48 : i32
    %dma_wait3A_653 = tpu.memref_slice %arg6[%dma_wait3A_652] : memref<64xi32, #tpu.memory_space<vmem>> -> memref<8xi32, #tpu.memory_space<vmem>>
    %dma_wait3A_654 = arith.constant 0 : i32
    %dma_wait3A_655 = arith.constant 0 : i32
    %dma_wait3A_656 = tpu.memref_slice %arg2[%dma_wait3A_654, %dma_wait3A_655] : memref<10000x10000xf32, #tpu.memory_space<hbm>> -> memref<10000x9984xf32, #tpu.memory_space<hbm>>
    tpu.wait_indirect_dma semaphore(%arg9 : memref<!tpu.dma_semaphore, #tpu.memory_space<semaphore_mem>>) src(%dma_wait3A_656 : memref<10000x9984xf32, #tpu.memory_space<hbm>>) dst(%dma_wait3A_651 : memref<8x9984xf32, #tpu.memory_space<vmem>>)
    %get3A_657 = arith.constant 48 : i32
    %get3A_658 = arith.index_cast %get3A_657 : i32 to index
    %get3A_659 = arith.constant 112 : index
    %get3A_660 = tpu.vector_load %arg8[%get3A_658, %get3A_659] {strides = array<i32>} : memref<64x128xf32, #tpu.memory_space<vmem>>, vector<1x16xf32>,
    %get3A_661 = vector.shape_cast %get3A_660 : vector<1x16xf32> to vector<16xf32>
    %swap3A_662 = arith.constant 0 : i32
    %swap3A_663 = arith.index_cast %swap3A_662 : i32 to index
    %swap3A_664 = arith.constant 9984 : index
    %swap3A_665 = tpu.vector_load %arg7[%swap3A_663, %swap3A_664] {strides = array<i32>} : memref<8x10000xf32, #tpu.memory_space<vmem>>, vector<1x16xf32>,
    %swap3A_666 = vector.shape_cast %swap3A_665 : vector<1x16xf32> to vector<16xf32>
    %swap3A_667 = vector.shape_cast %get3A_661 : vector<16xf32> to vector<1x16xf32>
    tpu.vector_store %arg7[%swap3A_663, %swap3A_664], %swap3A_667 {strides = array<i32>} : memref<8x10000xf32, #tpu.memory_space<vmem>>, vector<1x16xf32>,
    %get3A_668 = arith.constant 49 : i32
    %get3A_669 = arith.index_cast %get3A_668 : i32 to index
    %get3A_670 = arith.constant 112 : index
    %get3A_671 = tpu.vector_load %arg8[%get3A_669, %get3A_670] {strides = array<i32>} : memref<64x128xf32, #tpu.memory_space<vmem>>, vector<1x16xf32>,
    %get3A_672 = vector.shape_cast %get3A_671 : vector<1x16xf32> to vector<16xf32>
    %swap3A_673 = arith.constant 1 : i32
    %swap3A_674 = arith.index_cast %swap3A_673 : i32 to index
    %swap3A_675 = arith.constant 9984 : index
    %swap3A_676 = tpu.vector_load %arg7[%swap3A_674, %swap3A_675] {strides = array<i32>} : memref<8x10000xf32, #tpu.memory_space<vmem>>, vector<1x16xf32>,
    %swap3A_677 = vector.shape_cast %swap3A_676 : vector<1x16xf32> to vector<16xf32>
    %swap3A_678 = vector.shape_cast %get3A_672 : vector<16xf32> to vector<1x16xf32>
    tpu.vector_store %arg7[%swap3A_674, %swap3A_675], %swap3A_678 {strides = array<i32>} : memref<8x10000xf32, #tpu.memory_space<vmem>>, vector<1x16xf32>,
    %get3A_679 = arith.constant 50 : i32
    %get3A_680 = arith.index_cast %get3A_679 : i32 to index
    %get3A_681 = arith.constant 112 : index
    %get3A_682 = tpu.vector_load %arg8[%get3A_680, %get3A_681] {strides = array<i32>} : memref<64x128xf32, #tpu.memory_space<vmem>>, vector<1x16xf32>,
    %get3A_683 = vector.shape_cast %get3A_682 : vector<1x16xf32> to vector<16xf32>
    %swap3A_684 = arith.constant 2 : i32
    %swap3A_685 = arith.index_cast %swap3A_684 : i32 to index
    %swap3A_686 = arith.constant 9984 : index
    %swap3A_687 = tpu.vector_load %arg7[%swap3A_685, %swap3A_686] {strides = array<i32>} : memref<8x10000xf32, #tpu.memory_space<vmem>>, vector<1x16xf32>,
    %swap3A_688 = vector.shape_cast %swap3A_687 : vector<1x16xf32> to vector<16xf32>
    %swap3A_689 = vector.shape_cast %get3A_683 : vector<16xf32> to vector<1x16xf32>
    tpu.vector_store %arg7[%swap3A_685, %swap3A_686], %swap3A_689 {strides = array<i32>} : memref<8x10000xf32, #tpu.memory_space<vmem>>, vector<1x16xf32>,
    %get3A_690 = arith.constant 51 : i32
    %get3A_691 = arith.index_cast %get3A_690 : i32 to index
    %get3A_692 = arith.constant 112 : index
    %get3A_693 = tpu.vector_load %arg8[%get3A_691, %get3A_692] {strides = array<i32>} : memref<64x128xf32, #tpu.memory_space<vmem>>, vector<1x16xf32>,
    %get3A_694 = vector.shape_cast %get3A_693 : vector<1x16xf32> to vector<16xf32>
    %swap3A_695 = arith.constant 3 : i32
    %swap3A_696 = arith.index_cast %swap3A_695 : i32 to index
    %swap3A_697 = arith.constant 9984 : index
    %swap3A_698 = tpu.vector_load %arg7[%swap3A_696, %swap3A_697] {strides = array<i32>} : memref<8x10000xf32, #tpu.memory_space<vmem>>, vector<1x16xf32>,
    %swap3A_699 = vector.shape_cast %swap3A_698 : vector<1x16xf32> to vector<16xf32>
    %swap3A_700 = vector.shape_cast %get3A_694 : vector<16xf32> to vector<1x16xf32>
    tpu.vector_store %arg7[%swap3A_696, %swap3A_697], %swap3A_700 {strides = array<i32>} : memref<8x10000xf32, #tpu.memory_space<vmem>>, vector<1x16xf32>,
    %get3A_701 = arith.constant 52 : i32
    %get3A_702 = arith.index_cast %get3A_701 : i32 to index
    %get3A_703 = arith.constant 112 : index
    %get3A_704 = tpu.vector_load %arg8[%get3A_702, %get3A_703] {strides = array<i32>} : memref<64x128xf32, #tpu.memory_space<vmem>>, vector<1x16xf32>,
    %get3A_705 = vector.shape_cast %get3A_704 : vector<1x16xf32> to vector<16xf32>
    %swap3A_706 = arith.constant 4 : i32
    %swap3A_707 = arith.index_cast %swap3A_706 : i32 to index
    %swap3A_708 = arith.constant 9984 : index
    %swap3A_709 = tpu.vector_load %arg7[%swap3A_707, %swap3A_708] {strides = array<i32>} : memref<8x10000xf32, #tpu.memory_space<vmem>>, vector<1x16xf32>,
    %swap3A_710 = vector.shape_cast %swap3A_709 : vector<1x16xf32> to vector<16xf32>
    %swap3A_711 = vector.shape_cast %get3A_705 : vector<16xf32> to vector<1x16xf32>
    tpu.vector_store %arg7[%swap3A_707, %swap3A_708], %swap3A_711 {strides = array<i32>} : memref<8x10000xf32, #tpu.memory_space<vmem>>, vector<1x16xf32>,
    %get3A_712 = arith.constant 53 : i32
    %get3A_713 = arith.index_cast %get3A_712 : i32 to index
    %get3A_714 = arith.constant 112 : index
    %get3A_715 = tpu.vector_load %arg8[%get3A_713, %get3A_714] {strides = array<i32>} : memref<64x128xf32, #tpu.memory_space<vmem>>, vector<1x16xf32>,
    %get3A_716 = vector.shape_cast %get3A_715 : vector<1x16xf32> to vector<16xf32>
    %swap3A_717 = arith.constant 5 : i32
    %swap3A_718 = arith.index_cast %swap3A_717 : i32 to index
    %swap3A_719 = arith.constant 9984 : index
    %swap3A_720 = tpu.vector_load %arg7[%swap3A_718, %swap3A_719] {strides = array<i32>} : memref<8x10000xf32, #tpu.memory_space<vmem>>, vector<1x16xf32>,
    %swap3A_721 = vector.shape_cast %swap3A_720 : vector<1x16xf32> to vector<16xf32>
    %swap3A_722 = vector.shape_cast %get3A_716 : vector<16xf32> to vector<1x16xf32>
    tpu.vector_store %arg7[%swap3A_718, %swap3A_719], %swap3A_722 {strides = array<i32>} : memref<8x10000xf32, #tpu.memory_space<vmem>>, vector<1x16xf32>,
    %get3A_723 = arith.constant 54 : i32
    %get3A_724 = arith.index_cast %get3A_723 : i32 to index
    %get3A_725 = arith.constant 112 : index
    %get3A_726 = tpu.vector_load %arg8[%get3A_724, %get3A_725] {strides = array<i32>} : memref<64x128xf32, #tpu.memory_space<vmem>>, vector<1x16xf32>,
    %get3A_727 = vector.shape_cast %get3A_726 : vector<1x16xf32> to vector<16xf32>
    %swap3A_728 = arith.constant 6 : i32
    %swap3A_729 = arith.index_cast %swap3A_728 : i32 to index
    %swap3A_730 = arith.constant 9984 : index
    %swap3A_731 = tpu.vector_load %arg7[%swap3A_729, %swap3A_730] {strides = array<i32>} : memref<8x10000xf32, #tpu.memory_space<vmem>>, vector<1x16xf32>,
    %swap3A_732 = vector.shape_cast %swap3A_731 : vector<1x16xf32> to vector<16xf32>
    %swap3A_733 = vector.shape_cast %get3A_727 : vector<16xf32> to vector<1x16xf32>
    tpu.vector_store %arg7[%swap3A_729, %swap3A_730], %swap3A_733 {strides = array<i32>} : memref<8x10000xf32, #tpu.memory_space<vmem>>, vector<1x16xf32>,
    %get3A_734 = arith.constant 55 : i32
    %get3A_735 = arith.index_cast %get3A_734 : i32 to index
    %get3A_736 = arith.constant 112 : index
    %get3A_737 = tpu.vector_load %arg8[%get3A_735, %get3A_736] {strides = array<i32>} : memref<64x128xf32, #tpu.memory_space<vmem>>, vector<1x16xf32>,
    %get3A_738 = vector.shape_cast %get3A_737 : vector<1x16xf32> to vector<16xf32>
    %swap3A_739 = arith.constant 7 : i32
    %swap3A_740 = arith.index_cast %swap3A_739 : i32 to index
    %swap3A_741 = arith.constant 9984 : index
    %swap3A_742 = tpu.vector_load %arg7[%swap3A_740, %swap3A_741] {strides = array<i32>} : memref<8x10000xf32, #tpu.memory_space<vmem>>, vector<1x16xf32>,
    %swap3A_743 = vector.shape_cast %swap3A_742 : vector<1x16xf32> to vector<16xf32>
    %swap3A_744 = vector.shape_cast %get3A_738 : vector<16xf32> to vector<1x16xf32>
    tpu.vector_store %arg7[%swap3A_740, %swap3A_741], %swap3A_744 {strides = array<i32>} : memref<8x10000xf32, #tpu.memory_space<vmem>>, vector<1x16xf32>,
    %add3A_745 = arith.constant 48 : i32
    %add3A_746 = arith.addi %mul3A_2, %add3A_745 : i32
    "tpu.region"() ({
      %run_scoped3A = tpu.sem_alloc : memref<!tpu.dma_semaphore, #tpu.memory_space<semaphore_mem>>
      %dma_start3A_853 = arith.constant 0 : i32
      %dma_start3A_854 = tpu.memref_slice %arg5[%add3A_746, %dma_start3A_853] : memref<2048x10000xf32, #tpu.memory_space<hbm>> -> memref<8x10000xf32, #tpu.memory_space<hbm>>
      %dma_start3A_855 = arith.constant 0 : i32
      %dma_start3A_856 = tpu.memref_slice %arg5[%add3A_746, %dma_start3A_855] : memref<2048x10000xf32, #tpu.memory_space<hbm>> -> memref<8x10000xf32, #tpu.memory_space<hbm>>
      tpu.enqueue_dma source(%arg7 : memref<8x10000xf32, #tpu.memory_space<vmem>>) target(%dma_start3A_856 : memref<8x10000xf32, #tpu.memory_space<hbm>>) target_semaphore(%run_scoped3A : memref<!tpu.dma_semaphore, #tpu.memory_space<semaphore_mem>>)
      %dma_wait3A_857 = arith.constant 0 : i32
      %dma_wait3A_858 = tpu.memref_slice %arg5[%add3A_746, %dma_wait3A_857] : memref<2048x10000xf32, #tpu.memory_space<hbm>> -> memref<8x10000xf32, #tpu.memory_space<hbm>>
      %dma_wait3A_859 = arith.constant 0 : i32
      %dma_wait3A_860 = tpu.memref_slice %arg5[%add3A_746, %dma_wait3A_859] : memref<2048x10000xf32, #tpu.memory_space<hbm>> -> memref<8x10000xf32, #tpu.memory_space<hbm>>
      tpu.wait_dma2 semaphore(%run_scoped3A : memref<!tpu.dma_semaphore, #tpu.memory_space<semaphore_mem>>) src(%arg7 : memref<8x10000xf32, #tpu.memory_space<vmem>>) dst(%dma_wait3A_860 : memref<8x10000xf32, #tpu.memory_space<hbm>>)
      tpu.yield
    }) : () -> ()
    %dma_start3A_747 = arith.constant 0 : i32
    %dma_start3A_748 = arith.constant 0 : i32
    %dma_start3A_749 = tpu.memref_slice %arg7[%dma_start3A_747, %dma_start3A_748] : memref<8x10000xf32, #tpu.memory_space<vmem>> -> memref<8x9984xf32, #tpu.memory_space<vmem>>
    %dma_start3A_750 = arith.constant 56 : i32
    %dma_start3A_751 = tpu.memref_slice %arg6[%dma_start3A_750] : memref<64xi32, #tpu.memory_space<vmem>> -> memref<8xi32, #tpu.memory_space<vmem>>
    %dma_start3A_752 = arith.constant 0 : i32
    %dma_start3A_753 = arith.constant 0 : i32
    %dma_start3A_754 = tpu.memref_slice %arg2[%dma_start3A_752, %dma_start3A_753] : memref<10000x10000xf32, #tpu.memory_space<hbm>> -> memref<10000x9984xf32, #tpu.memory_space<hbm>>
    tpu.enqueue_indirect_dma source(%dma_start3A_754 : memref<10000x9984xf32, #tpu.memory_space<hbm>>) target(%dma_start3A_749 : memref<8x9984xf32, #tpu.memory_space<vmem>>) offsets(%dma_start3A_751 : memref<8xi32, #tpu.memory_space<vmem>>) semaphore(%arg9 : memref<!tpu.dma_semaphore, #tpu.memory_space<semaphore_mem>>)
    %dma_wait3A_755 = arith.constant 0 : i32
    %dma_wait3A_756 = arith.constant 0 : i32
    %dma_wait3A_757 = tpu.memref_slice %arg7[%dma_wait3A_755, %dma_wait3A_756] : memref<8x10000xf32, #tpu.memory_space<vmem>> -> memref<8x9984xf32, #tpu.memory_space<vmem>>
    %dma_wait3A_758 = arith.constant 56 : i32
    %dma_wait3A_759 = tpu.memref_slice %arg6[%dma_wait3A_758] : memref<64xi32, #tpu.memory_space<vmem>> -> memref<8xi32, #tpu.memory_space<vmem>>
    %dma_wait3A_760 = arith.constant 0 : i32
    %dma_wait3A_761 = arith.constant 0 : i32
    %dma_wait3A_762 = tpu.memref_slice %arg2[%dma_wait3A_760, %dma_wait3A_761] : memref<10000x10000xf32, #tpu.memory_space<hbm>> -> memref<10000x9984xf32, #tpu.memory_space<hbm>>
    tpu.wait_indirect_dma semaphore(%arg9 : memref<!tpu.dma_semaphore, #tpu.memory_space<semaphore_mem>>) src(%dma_wait3A_762 : memref<10000x9984xf32, #tpu.memory_space<hbm>>) dst(%dma_wait3A_757 : memref<8x9984xf32, #tpu.memory_space<vmem>>)
    %get3A_763 = arith.constant 56 : i32
    %get3A_764 = arith.index_cast %get3A_763 : i32 to index
    %get3A_765 = arith.constant 112 : index
    %get3A_766 = tpu.vector_load %arg8[%get3A_764, %get3A_765] {strides = array<i32>} : memref<64x128xf32, #tpu.memory_space<vmem>>, vector<1x16xf32>,
    %get3A_767 = vector.shape_cast %get3A_766 : vector<1x16xf32> to vector<16xf32>
    %swap3A_768 = arith.constant 0 : i32
    %swap3A_769 = arith.index_cast %swap3A_768 : i32 to index
    %swap3A_770 = arith.constant 9984 : index
    %swap3A_771 = tpu.vector_load %arg7[%swap3A_769, %swap3A_770] {strides = array<i32>} : memref<8x10000xf32, #tpu.memory_space<vmem>>, vector<1x16xf32>,
    %swap3A_772 = vector.shape_cast %swap3A_771 : vector<1x16xf32> to vector<16xf32>
    %swap3A_773 = vector.shape_cast %get3A_767 : vector<16xf32> to vector<1x16xf32>
    tpu.vector_store %arg7[%swap3A_769, %swap3A_770], %swap3A_773 {strides = array<i32>} : memref<8x10000xf32, #tpu.memory_space<vmem>>, vector<1x16xf32>,
    %get3A_774 = arith.constant 57 : i32
    %get3A_775 = arith.index_cast %get3A_774 : i32 to index
    %get3A_776 = arith.constant 112 : index
    %get3A_777 = tpu.vector_load %arg8[%get3A_775, %get3A_776] {strides = array<i32>} : memref<64x128xf32, #tpu.memory_space<vmem>>, vector<1x16xf32>,
    %get3A_778 = vector.shape_cast %get3A_777 : vector<1x16xf32> to vector<16xf32>
    %swap3A_779 = arith.constant 1 : i32
    %swap3A_780 = arith.index_cast %swap3A_779 : i32 to index
    %swap3A_781 = arith.constant 9984 : index
    %swap3A_782 = tpu.vector_load %arg7[%swap3A_780, %swap3A_781] {strides = array<i32>} : memref<8x10000xf32, #tpu.memory_space<vmem>>, vector<1x16xf32>,
    %swap3A_783 = vector.shape_cast %swap3A_782 : vector<1x16xf32> to vector<16xf32>
    %swap3A_784 = vector.shape_cast %get3A_778 : vector<16xf32> to vector<1x16xf32>
    tpu.vector_store %arg7[%swap3A_780, %swap3A_781], %swap3A_784 {strides = array<i32>} : memref<8x10000xf32, #tpu.memory_space<vmem>>, vector<1x16xf32>,
    %get3A_785 = arith.constant 58 : i32
    %get3A_786 = arith.index_cast %get3A_785 : i32 to index
    %get3A_787 = arith.constant 112 : index
    %get3A_788 = tpu.vector_load %arg8[%get3A_786, %get3A_787] {strides = array<i32>} : memref<64x128xf32, #tpu.memory_space<vmem>>, vector<1x16xf32>,
    %get3A_789 = vector.shape_cast %get3A_788 : vector<1x16xf32> to vector<16xf32>
    %swap3A_790 = arith.constant 2 : i32
    %swap3A_791 = arith.index_cast %swap3A_790 : i32 to index
    %swap3A_792 = arith.constant 9984 : index
    %swap3A_793 = tpu.vector_load %arg7[%swap3A_791, %swap3A_792] {strides = array<i32>} : memref<8x10000xf32, #tpu.memory_space<vmem>>, vector<1x16xf32>,
    %swap3A_794 = vector.shape_cast %swap3A_793 : vector<1x16xf32> to vector<16xf32>
    %swap3A_795 = vector.shape_cast %get3A_789 : vector<16xf32> to vector<1x16xf32>
    tpu.vector_store %arg7[%swap3A_791, %swap3A_792], %swap3A_795 {strides = array<i32>} : memref<8x10000xf32, #tpu.memory_space<vmem>>, vector<1x16xf32>,
    %get3A_796 = arith.constant 59 : i32
    %get3A_797 = arith.index_cast %get3A_796 : i32 to index
    %get3A_798 = arith.constant 112 : index
    %get3A_799 = tpu.vector_load %arg8[%get3A_797, %get3A_798] {strides = array<i32>} : memref<64x128xf32, #tpu.memory_space<vmem>>, vector<1x16xf32>,
    %get3A_800 = vector.shape_cast %get3A_799 : vector<1x16xf32> to vector<16xf32>
    %swap3A_801 = arith.constant 3 : i32
    %swap3A_802 = arith.index_cast %swap3A_801 : i32 to index
    %swap3A_803 = arith.constant 9984 : index
    %swap3A_804 = tpu.vector_load %arg7[%swap3A_802, %swap3A_803] {strides = array<i32>} : memref<8x10000xf32, #tpu.memory_space<vmem>>, vector<1x16xf32>,
    %swap3A_805 = vector.shape_cast %swap3A_804 : vector<1x16xf32> to vector<16xf32>
    %swap3A_806 = vector.shape_cast %get3A_800 : vector<16xf32> to vector<1x16xf32>
    tpu.vector_store %arg7[%swap3A_802, %swap3A_803], %swap3A_806 {strides = array<i32>} : memref<8x10000xf32, #tpu.memory_space<vmem>>, vector<1x16xf32>,
    %get3A_807 = arith.constant 60 : i32
    %get3A_808 = arith.index_cast %get3A_807 : i32 to index
    %get3A_809 = arith.constant 112 : index
    %get3A_810 = tpu.vector_load %arg8[%get3A_808, %get3A_809] {strides = array<i32>} : memref<64x128xf32, #tpu.memory_space<vmem>>, vector<1x16xf32>,
    %get3A_811 = vector.shape_cast %get3A_810 : vector<1x16xf32> to vector<16xf32>
    %swap3A_812 = arith.constant 4 : i32
    %swap3A_813 = arith.index_cast %swap3A_812 : i32 to index
    %swap3A_814 = arith.constant 9984 : index
    %swap3A_815 = tpu.vector_load %arg7[%swap3A_813, %swap3A_814] {strides = array<i32>} : memref<8x10000xf32, #tpu.memory_space<vmem>>, vector<1x16xf32>,
    %swap3A_816 = vector.shape_cast %swap3A_815 : vector<1x16xf32> to vector<16xf32>
    %swap3A_817 = vector.shape_cast %get3A_811 : vector<16xf32> to vector<1x16xf32>
    tpu.vector_store %arg7[%swap3A_813, %swap3A_814], %swap3A_817 {strides = array<i32>} : memref<8x10000xf32, #tpu.memory_space<vmem>>, vector<1x16xf32>,
    %get3A_818 = arith.constant 61 : i32
    %get3A_819 = arith.index_cast %get3A_818 : i32 to index
    %get3A_820 = arith.constant 112 : index
    %get3A_821 = tpu.vector_load %arg8[%get3A_819, %get3A_820] {strides = array<i32>} : memref<64x128xf32, #tpu.memory_space<vmem>>, vector<1x16xf32>,
    %get3A_822 = vector.shape_cast %get3A_821 : vector<1x16xf32> to vector<16xf32>
    %swap3A_823 = arith.constant 5 : i32
    %swap3A_824 = arith.index_cast %swap3A_823 : i32 to index
    %swap3A_825 = arith.constant 9984 : index
    %swap3A_826 = tpu.vector_load %arg7[%swap3A_824, %swap3A_825] {strides = array<i32>} : memref<8x10000xf32, #tpu.memory_space<vmem>>, vector<1x16xf32>,
    %swap3A_827 = vector.shape_cast %swap3A_826 : vector<1x16xf32> to vector<16xf32>
    %swap3A_828 = vector.shape_cast %get3A_822 : vector<16xf32> to vector<1x16xf32>
    tpu.vector_store %arg7[%swap3A_824, %swap3A_825], %swap3A_828 {strides = array<i32>} : memref<8x10000xf32, #tpu.memory_space<vmem>>, vector<1x16xf32>,
    %get3A_829 = arith.constant 62 : i32
    %get3A_830 = arith.index_cast %get3A_829 : i32 to index
    %get3A_831 = arith.constant 112 : index
    %get3A_832 = tpu.vector_load %arg8[%get3A_830, %get3A_831] {strides = array<i32>} : memref<64x128xf32, #tpu.memory_space<vmem>>, vector<1x16xf32>,
    %get3A_833 = vector.shape_cast %get3A_832 : vector<1x16xf32> to vector<16xf32>
    %swap3A_834 = arith.constant 6 : i32
    %swap3A_835 = arith.index_cast %swap3A_834 : i32 to index
    %swap3A_836 = arith.constant 9984 : index
    %swap3A_837 = tpu.vector_load %arg7[%swap3A_835, %swap3A_836] {strides = array<i32>} : memref<8x10000xf32, #tpu.memory_space<vmem>>, vector<1x16xf32>,
    %swap3A_838 = vector.shape_cast %swap3A_837 : vector<1x16xf32> to vector<16xf32>
    %swap3A_839 = vector.shape_cast %get3A_833 : vector<16xf32> to vector<1x16xf32>
    tpu.vector_store %arg7[%swap3A_835, %swap3A_836], %swap3A_839 {strides = array<i32>} : memref<8x10000xf32, #tpu.memory_space<vmem>>, vector<1x16xf32>,
    %get3A_840 = arith.constant 63 : i32
    %get3A_841 = arith.index_cast %get3A_840 : i32 to index
    %get3A_842 = arith.constant 112 : index
    %get3A_843 = tpu.vector_load %arg8[%get3A_841, %get3A_842] {strides = array<i32>} : memref<64x128xf32, #tpu.memory_space<vmem>>, vector<1x16xf32>,
    %get3A_844 = vector.shape_cast %get3A_843 : vector<1x16xf32> to vector<16xf32>
    %swap3A_845 = arith.constant 7 : i32
    %swap3A_846 = arith.index_cast %swap3A_845 : i32 to index
    %swap3A_847 = arith.constant 9984 : index
    %swap3A_848 = tpu.vector_load %arg7[%swap3A_846, %swap3A_847] {strides = array<i32>} : memref<8x10000xf32, #tpu.memory_space<vmem>>, vector<1x16xf32>,
    %swap3A_849 = vector.shape_cast %swap3A_848 : vector<1x16xf32> to vector<16xf32>
    %swap3A_850 = vector.shape_cast %get3A_844 : vector<16xf32> to vector<1x16xf32>
    tpu.vector_store %arg7[%swap3A_846, %swap3A_847], %swap3A_850 {strides = array<i32>} : memref<8x10000xf32, #tpu.memory_space<vmem>>, vector<1x16xf32>,
    %add3A_851 = arith.constant 56 : i32
    %add3A_852 = arith.addi %mul3A_2, %add3A_851 : i32
    "tpu.region"() ({
      %run_scoped3A = tpu.sem_alloc : memref<!tpu.dma_semaphore, #tpu.memory_space<semaphore_mem>>
      %dma_start3A_853 = arith.constant 0 : i32
      %dma_start3A_854 = tpu.memref_slice %arg5[%add3A_852, %dma_start3A_853] : memref<2048x10000xf32, #tpu.memory_space<hbm>> -> memref<8x10000xf32, #tpu.memory_space<hbm>>
      %dma_start3A_855 = arith.constant 0 : i32
      %dma_start3A_856 = tpu.memref_slice %arg5[%add3A_852, %dma_start3A_855] : memref<2048x10000xf32, #tpu.memory_space<hbm>> -> memref<8x10000xf32, #tpu.memory_space<hbm>>
      tpu.enqueue_dma source(%arg7 : memref<8x10000xf32, #tpu.memory_space<vmem>>) target(%dma_start3A_856 : memref<8x10000xf32, #tpu.memory_space<hbm>>) target_semaphore(%run_scoped3A : memref<!tpu.dma_semaphore, #tpu.memory_space<semaphore_mem>>)
      %dma_wait3A_857 = arith.constant 0 : i32
      %dma_wait3A_858 = tpu.memref_slice %arg5[%add3A_852, %dma_wait3A_857] : memref<2048x10000xf32, #tpu.memory_space<hbm>> -> memref<8x10000xf32, #tpu.memory_space<hbm>>
      %dma_wait3A_859 = arith.constant 0 : i32
      %dma_wait3A_860 = tpu.memref_slice %arg5[%add3A_852, %dma_wait3A_859] : memref<2048x10000xf32, #tpu.memory_space<hbm>> -> memref<8x10000xf32, #tpu.memory_space<hbm>>
      tpu.wait_dma2 semaphore(%run_scoped3A : memref<!tpu.dma_semaphore, #tpu.memory_space<semaphore_mem>>) src(%arg7 : memref<8x10000xf32, #tpu.memory_space<vmem>>) dst(%dma_wait3A_860 : memref<8x10000xf32, #tpu.memory_space<hbm>>)
      tpu.yield
    }) : () -> ()
    return
  }
}

</mosaic_0001>

<sc_bundles>
// kernel: kernel.3.cloned.1.call-start
scs
__scs_entry_jumppad:
0x0: {  	(pc) =	sbr.rel $0x88, $3  }
0x1: {  	(tag) =	ssettag $0x0;
	lr =	simm.s32 $0x1  }
0x2: {  	[smem:$0x3F9F] =	sst lr;
	_ =	strace $0xD0000000  }
0x3: {  	_ = 	snop  }
0x4: {  	_ = 	snop  }
0x5: {  	_ = 	snop  }
0x6: {  	_ = 	snop  }
0x7: {  	_ = 	snop  }
__scs_overlays_trampoline_lowered:
0x8: {  	[smem:$0x3FAE] =	sst s0  }
0x9: {  	[smem:$0x3FAF] =	sst s1  }
0xa: {  	[smem:$0x3FB0] =	sst s2  }
0xb: {  	[smem:$0x3FB1] =	sst s3  }
0xc: {  	[smem:$0x3FB2] =	sst s4  }
0xd: {  	[smem:$0x3FB3] =	sst s5  }
0xe: {  	[smem:$0x3FB4] =	sst s6  }
0xf: {  	[smem:$0x3FB5] =	sst s7  }
0x10: {  	[smem:$0x3FB6] =	sst s8  }
0x11: {  	[smem:$0x3FB7] =	sst s9;
	s0 =	simm.s32 @!p0 $0x0  }
0x12: {  	s1 =	sld [smem:$0x3F9D];
	s0 =	simm.s32 @p0 $0x1  }
0x13: {  	[smem:$0x3FB8] =	sst s0;
	s0 =	simm.s32 @!p1 $0x0  }
0x14: {  	s2 =	sld [smem:$0x3F9C];
	s0 =	simm.s32 @p1 $0x1  }
0x15: {  	[smem:$0x3FB9] =	sst s0;
	s0 =	simm.s32 @!p2 $0x0  }
0x16: {  	s3 =	sld [smem:$0x3FDB];
	s0 =	simm.s32 @p2 $0x1  }
0x17: {  	s4 =	simm.s32 $0x1BF5;
	[smem:$0x3FBB] =	sst s0  }
0x18: {  	s0 =	sld [smem:$0x3F9E];
	_ =	swait.ge [sflag:s4], $0x0  }
0x19: {  	s7 =	sld [smem:$0x3F9F]  }
0x1a: {  	s8 =	sadd.s32 $0xFFFFE003, lr  }
0x1b: {  	s9 =	sadd.s32 $0xFFFFFEF7, lr;
	s5 =	simm.s32 $0xFFFFFFFF;
	p2 =	slt.u32 s8, $0xFFFFF086  }
0x1c: {  	p1 =	slt.u32 s9, $0xF7A;
	s5 =	simm.s32 @!p2 $0x0  }
0x1d: {  	s5 =	simm.s32 @p1 $0x1;
	p0 =	seq.s32 s7, s2  }
0x1e: {  	s7 =	smul.u32 @!p0 $0xF7A, s2;
	p2 =	seq.s32 @!p0 s5, $0x0  }
0x1f: {  	s9 =	smul.u32 $0xF7A, s1;
	s8 =	simm.s32 @!p0 $0x1BF5;
	p2 =	por !p2, p0  }
0x20: {  	[sflag:s8] =	ssyncset.s32 @!p0 $0xFFFFF086;
	s6 =	sadd.s32 @!p0 s3, s7;
	s7 =	simm.s32 @!p0 $0x108  }
0x21: {  	s3 =	sadd.s32 s3, s9;
	s6 =	sadd.s32 @!p0 $0x88, s6;
	s7 =	simm.s32 @p2 $0x1082  }
0x22: {  	[simem:s7], [sflag:s8] =	dma.local @!p0 [hbm:s6], $0xF7A  }
0x23: {  	s9 =	sor.u32 $0xD0000000, s2;
	s6 =	simm.s32 $0x108;
	_ =	swait.ge @!p0 [sflag:s8], $0x0  }
0x24: {  	s3 =	sadd.s32 $0x88, s3;
	s6 =	simm.s32 @!p1 $0x1082;
	[sflag:s4] =	ssyncset.s32 $0xFFFFF086  }
0x25: {  	[simem:s6], [sflag:s4] =	dma.local [hbm:s3], $0xF7A  }
0x26: {  	[smem:$0x3F9F] =	sst s1;
	(tag) =	ssettag s2;
	_ =	strace s9  }
0x27: {  	s1 =	sld [smem:$0x3FAF]  }
0x28: {  	s2 =	sld [smem:$0x3FB0]  }
0x29: {  	s4 =	sld [smem:$0x3FB2]  }
0x2a: {  	p0 =	seq.s32 s5, $0x0;
	s5 =	sld [smem:$0x3FB3]  }
0x2b: {  	s6 =	sld [smem:$0x3FB4]  }
0x2c: {  	s7 =	sld [smem:$0x3FB5]  }
0x2d: {  	s3 =	simm.s32 $0x108;
	s8 =	sld [smem:$0x3FB6]  }
0x2e: {  	s3 =	simm.s32 @!p0 $0x1082;
	s9 =	sld [smem:$0x3FB7]  }
0x2f: {  	lr =	sadd.s32 s0, s3;
	s0 =	sld [smem:$0x3FAE]  }
0x30: {  	s3 =	sld [smem:$0x3FB1]  }
0x31: {  	[smem:$0x3FBA] =	sst s10  }
0x32: {  	s10 =	sld [smem:$0x3FB8];
	_ =	sdelay $0x3  }
0x33: {  	p0 =	seq.s32 s10, $0x1;
	s10 =	sld [smem:$0x3FBA];
	_ =	sdelay $0x3  }
0x34: {  	[smem:$0x3FBA] =	sst s10  }
0x35: {  	s10 =	sld [smem:$0x3FB9];
	_ =	sdelay $0x3  }
0x36: {  	p1 =	seq.s32 s10, $0x1;
	s10 =	sld [smem:$0x3FBA];
	_ =	sdelay $0x3  }
0x37: {  	[smem:$0x3FBA] =	sst s10  }
0x38: {  	s10 =	sld [smem:$0x3FBB]  }
0x39: {  	_ = 	snop;
	(pc) =	sbr.ind lr, $3  }
0x3a: {  	_ = 	snop  }
0x3b: {  	_ = 	snop  }
0x3c: {  	p2 =	seq.s32 s10, $0x1;
	s10 =	sld [smem:$0x3FBA]  }
0x3d: {  	_ =	shalt  }
0x3e: {  	_ =	shalt  }
0x3f: {  	_ =	shalt  }
0x40: {  	_ =	shalt  }
0x41: {  	_ =	shalt  }
0x42: {  	_ =	shalt  }
0x43: {  	_ =	shalt  }
0x44: {  	_ =	shalt  }
0x45: {  	_ =	shalt  }
0x46: {  	_ =	shalt  }
0x47: {  	_ =	shalt  }
0x48: {  	_ =	shalt  }
0x49: {  	_ =	shalt  }
0x4a: {  	_ =	shalt  }
0x4b: {  	_ =	shalt  }
0x4c: {  	_ =	shalt  }
0x4d: {  	_ =	shalt  }
0x4e: {  	_ =	shalt  }
0x4f: {  	_ =	shalt  }
0x50: {  	_ =	shalt  }
0x51: {  	_ =	shalt  }
0x52: {  	_ =	shalt  }
0x53: {  	_ =	shalt  }
0x54: {  	_ =	shalt  }
0x55: {  	_ =	shalt  }
0x56: {  	_ =	shalt  }
0x57: {  	_ =	shalt  }
0x58: {  	_ =	shalt  }
0x59: {  	_ =	shalt  }
0x5a: {  	_ =	shalt  }
0x5b: {  	_ =	shalt  }
0x5c: {  	_ =	shalt  }
0x5d: {  	_ =	shalt  }
0x5e: {  	_ =	shalt  }
0x5f: {  	_ =	shalt  }
0x60: {  	_ =	shalt  }
0x61: {  	_ =	shalt  }
0x62: {  	_ =	shalt  }
0x63: {  	_ =	shalt  }
0x64: {  	_ =	shalt  }
0x65: {  	_ =	shalt  }
0x66: {  	_ =	shalt  }
0x67: {  	_ =	shalt  }
0x68: {  	_ =	shalt  }
0x69: {  	_ =	shalt  }
0x6a: {  	_ =	shalt  }
0x6b: {  	_ =	shalt  }
0x6c: {  	_ =	shalt  }
0x6d: {  	_ =	shalt  }
0x6e: {  	_ =	shalt  }
0x6f: {  	_ =	shalt  }
0x70: {  	_ =	shalt  }
0x71: {  	_ =	shalt  }
0x72: {  	_ =	shalt  }
0x73: {  	_ =	shalt  }
0x74: {  	_ =	shalt  }
0x75: {  	_ =	shalt  }
0x76: {  	_ =	shalt  }
0x77: {  	_ =	shalt  }
0x78: {  	_ =	shalt  }
0x79: {  	_ =	shalt  }
0x7a: {  	_ =	shalt  }
0x7b: {  	_ =	shalt  }
0x7c: {  	_ =	shalt  }
0x7d: {  	_ =	shalt  }
0x7e: {  	_ =	shalt  }
0x7f: {  	_ =	shalt  }
0x80: {  	_ =	shalt  }
0x81: {  	_ =	shalt  }
0x82: {  	_ =	shalt  }
0x83: {  	_ =	shalt  }
0x84: {  	_ =	shalt  }
0x85: {  	_ =	shalt  }
0x86: {  	_ =	shalt  }
0x87: {  	_ =	shalt  }
.Lfunc_end0:
.L_simem_size_0:
called_computation_lowered:
.L_overlay_start_0:
0x88: {  	s2 =	sld [smem:$0x3FD9]  }
0x89: {  	s3 =	sld [smem:$0x3FFE];
	_ =	sdelay $0x1  }
0x8a: {  	s1 =	srdreg.scid  }
0x8b: {  	s0 =	sand.u32 $0x1, s1  }
0x8c: {  	s17 =	sshll.u32 s0, $0xA;
	s2 =	sadd.s32 s3, s2  }
0x8d: {  	s2 =	sadd.s32 s2, s17  }
0x8e: {  	[smem:$0x3FC6] =	sst s2  }
0x8f: {  	_ = 	snop  }
0x90: {  	s2 =	sld [smem:$0x3FC8]  }
0x91: {  	s18 =	sld [smem:$0x3FD0];
	(tm) =	ssettm $0x1  }
0x92: {  	s4 =	sld [smem:$0x3FFB];
	_ =	sdelay $0x3  }
0x93: {  	_ =	strace s4  }
0x94: {  	s4 =	sld [smem:$0x3FFC];
	_ =	sdelay $0x3  }
0x95: {  	_ =	strace s4  }
0x96: {  	s4 =	sld [smem:$0x3FFD];
	_ =	sdelay $0x3  }
0x97: {  	_ =	strace s4  }
0x98: {  	_ =	strace $0x8FFFFFFF  }
0x99: {  	s19 =	sld [smem:$0x3FDB];
	_ =	sdelay $0x1  }
0x9a: {  	s5 =	simm.s32 $_scs_section_size  }
0x9b: {  	s6 =	simm.s32 $_size__tile_overlayer_lowered;
	s7 =	simm.s32 $_tile_overlayer_lowered  }
0x9c: {  	s22 =	simm.s32 $0x1BFF;
	s21 =	sshll.u32 s7, $0x1;
	s4 =	sadd.s32 s5, s19  }
0x9d: {  	s8 =	simm.s32 $0x0;
	s20 =	sshll.u32 s6, $0x1;
	s6 =	sadd.s32 s21, s4  }
0x9e: {  	[timem:s8], [sflag:s22] =	dma.local [hbm:s6], s20  }
0x9f: {  	_ =	swait.ge [sflag:s22], s20  }
0xa0: {  	s5 =	ssub.s32 $0x0, s20;
	[sflag:s22] =	ssyncset.done $0x0  }
0xa1: {  	[sflag:s22] =	ssyncadd.s32 s5;
	_ =	sdelay $0x1  }
0xa2: {  	s23 =	simm.s32 $0x1B8B  }
0xa3: {  	_ =	swait.ge [sflag:s23], $0x1  }
0xa4: {  	[sflag:s23] =	ssyncset.done $0x0  }
0xa5: {  	s25 =	simm.s32 $0x1B8E;
	s24 =	sld [smem:$0x3FFE];
	[sflag:s23] =	ssyncadd.s32 $0xFFFFFFFF  }
0xa6: {  	s26 =	simm.s32 $execute0_lowered;
	[smem:$0x3FD2] =	sst s25  }
0xa7: {  	s6 =	sshll.u32 s26, $0x1;
	_ =	strace $0x80000046;
	[dreg:$0x1] =	wrdreg $0xFFFFFFFF  }
0xa8: {  	s28 =	simm.s32 $_size_execute0_lowered;
	s4 =	sadd.s32 s4, s6;
	[dreg:$0x0] =	wrdreg $0x0  }
0xa9: {  	s6 =	sshll.u32 s28, $0x1;
	[dreg:$0x2] =	wrdreg s4  }
0xaa: {  	[dreg:$0x3] =	wrdreg s6  }
0xab: {  	[dreg:$0x4] =	wrdreg $0xC0  }
0xac: {  	_ =	task [dreg:s8], $0x5FFFF  }
0xad: {  	[dreg:$0x1] =	wrdreg $0xFFFFFFFF  }
0xae: {  	[dreg:$0x0] =	wrdreg $0x60  }
0xaf: {  	[dreg:$0x2] =	wrdreg s2  }
0xb0: {  	[dreg:$0x3] =	wrdreg s24  }
0xb1: {  	[dreg:$0x4] =	wrdreg s18  }
0xb2: {  	[dreg:$0x5] =	wrdreg $0x9  }
0xb3: {  	_ =	task.clear_ibuf [dreg:s8], $0x6FFFF;
	_ =	strace $0x90000046  }
0xb4: {  	s29 =	simm.s32 $0x9;
	_ =	strace $0x80000048  }
0xb5: {  	_ =	swait.ge [sflag:s29], $0x1  }
0xb6: {  	[sflag:s29] =	ssyncadd.s32 $0xFFFFFFFF  }
0xb7: {  	_ =	strace $0x90000048  }
0xb8: {  	_ =	sfence  }
0xb9: {  	s30 =	sld [smem:$0x0];
	_ =	sdelay $0x2  }
0xba: {  	s31 =	sshll.u32 s1, $0xD;
	s1 =	sshrl.u32 s1, $0x2  }
0xbb: {  	s3 =	sand.u32 $0x4000, s31;
	s1 =	sadd.s32 s1, s30  }
0xbc: {  	s0 =	sor.u32 s3, s0;
	s1 =	sshll.u32 s1, $0x11  }
0xbd: {  	s0 =	sor.u32 s1, s0  }
0xbe: {  	s0 =	sadd.s32 $0x8F2B, s0  }
0xbf: {  	[sflag:s0] =	ssyncadd.remote.s32 $0x1  }
0xc0: {  	_ =	sfence.sel $0xFFFF  }
0xc1: {  	[dreg:$0x0] =	wrdreg $0xFFFFFFFF;
	(pc) =	sbr.abs _section_cstart, $3  }
0xc2: {  	[dreg:$0x1] =	wrdreg $0xFFFFFFFF  }
0xc3: {  	_ =	task.clear_ibuf [dreg:s8], $0x2FFFF;
	_ =	strace $0x9FFFFFFF  }
0xc4: {  	(tm) =	ssettm $0x7FFFFFFF  }
0xc5: {  	_ =	shalt  }
tec
execute0_lowered:
.L_overlay_start_1:
0x0: {  	(tag) =	ssettag $0x1  }
0x1: {  	s11 =	rddreg [dreg:$0x0]  }
0x2: {  	s0 =	rddreg [dreg:$0x1]  }
0x3: {  	s1 =	rddreg [dreg:$0x2];
	s3 =	simm.s32 $0x0  }
0x4: {  	[smem:$0x7FF] =	sst s3;
	s6 =	sadd.s32 $0x600, s0  }
0x5: {  	s8 =	sadd.s32 $0x100, s11;
	_ =	strace $0x80000047;
	[dreg:$0x4] =	wrdreg s6  }
0x6: {  	s9 =	sadd.s32 $0x200, s11;
	[dreg:$0x10] =	wrdreg s8  }
0x7: {  	s10 =	sadd.s32 $0x300, s11;
	[dreg:$0x11] =	wrdreg s9  }
0x8: {  	s12 =	sadd.s32 $0x400, s11;
	[dreg:$0x12] =	wrdreg s10  }
0x9: {  	s13 =	sadd.s32 $0x500, s11;
	[dreg:$0x13] =	wrdreg s12  }
0xa: {  	s15 =	sadd.s32 $0x600, s11;
	[dreg:$0x14] =	wrdreg s13  }
0xb: {  	s16 =	sadd.s32 $0x700, s11;
	[dreg:$0x15] =	wrdreg s15  }
0xc: {  	s17 =	sadd.s32 $0x800, s11;
	[dreg:$0x16] =	wrdreg s16  }
0xd: {  	s18 =	sadd.s32 $0x900, s11;
	[dreg:$0x17] =	wrdreg s17  }
0xe: {  	s19 =	sadd.s32 $0xA00, s11;
	[dreg:$0x18] =	wrdreg s18  }
0xf: {  	s20 =	sadd.s32 $0xB00, s11;
	[dreg:$0x19] =	wrdreg s19  }
0x10: {  	s22 =	sadd.s32 $0xC00, s11;
	[dreg:$0x1a] =	wrdreg s20  }
0x11: {  	s24 =	sadd.s32 $0xD00, s11;
	[dreg:$0x1b] =	wrdreg s22  }
0x12: {  	s26 =	sadd.s32 $0xE00, s11;
	[dreg:$0x1c] =	wrdreg s24  }
0x13: {  	s29 =	sadd.s32 $0xF00, s11;
	[dreg:$0x1d] =	wrdreg s26  }
0x14: {  	s31 =	sadd.s32 $0x1000, s11;
	[dreg:$0x1e] =	wrdreg s29  }
0x15: {  	[dreg:$0x1f] =	wrdreg s31;
	s6 =	sadd.s32 $0x1100, s11  }
0x16: {  	s9 =	sadd.s32 $0x1300, s11;
	[smem:$0x7E8] =	sst s6  }
0x17: {  	s8 =	simm.s32 $0x40;
	[smem:$0x7EA] =	sst s9  }
0x18: {  	s12 =	sadd.s32 $0x1400, s11;
	[dreg:$0xe] =	wrdreg s8  }
0x19: {  	s10 =	simm.s32 $0x13C80;
	[smem:$0x7EB] =	sst s12  }
0x1a: {  	s13 =	sadd.s32 $0x1500, s11;
	[dreg:$0xf] =	wrdreg s10  }
0x1b: {  	s15 =	sadd.s32 $0x1700, s11;
	[smem:$0x7EC] =	sst s13  }
0x1c: {  	s16 =	sadd.s32 $0x1800, s11;
	[smem:$0x7EE] =	sst s15  }
0x1d: {  	s17 =	sadd.s32 $0x1900, s11;
	[smem:$0x7EF] =	sst s16  }
0x1e: {  	s2 =	srdreg.scid;
	s18 =	sadd.s32 $0x1A00, s11;
	[smem:$0x7F0] =	sst s17  }
0x1f: {  	s4 =	stileid.u32;
	s19 =	sadd.s32 $0x1B00, s11;
	[smem:$0x7F1] =	sst s18  }
0x20: {  	s2 =	sand.u32 $0x1, s2;
	s20 =	sadd.s32 $0x1C00, s11;
	[smem:$0x7F2] =	sst s19  }
0x21: {  	s4 =	sshll.u32 s4, $0x4;
	s22 =	sadd.s32 $0x1E00, s11;
	[smem:$0x7F3] =	sst s20  }
0x22: {  	s5 =	sshll.u32 s2, $0x3;
	s24 =	sadd.s32 $0x2000, s11;
	[smem:$0x7F5] =	sst s22  }
0x23: {  	s2 =	ssub.s32 $0x2, s2;
	s26 =	sadd.s32 $0x2200, s11;
	[smem:$0x7F7] =	sst s24  }
0x24: {  	s29 =	sadd.s32 $0x2400, s11;
	s31 =	sadd.s32 $0x2600, s11;
	[smem:$0x7F9] =	sst s26  }
0x25: {  	s4 =	sor.u32 s5, s4;
	s7 =	sshrl.u32 s2, $0x1;
	[smem:$0x7FB] =	sst s29  }
0x26: {  	[smem:$0x7FD] =	sst s31;
	s0 =	sadd.s32 s4, s0;
	s14 =	smul.u32 $0x13C00, s4  }
0x27: {  	s2 =	ssub.s32 s2, s7;
	s4 =	smul.u32 $0x2780, s4;
	s7 =	sadd.s32 $0x1200, s11  }
0x28: {  	s0 =	sadd.s32 $0x400, s0;
	[smem:$0x7E9] =	sst s7  }
0x29: {  	[dreg:$0x5] =	wrdreg s0;
	s0 =	sshrl.u32 s14, $0x3;
	s4 =	sadd.s32 s1, s4  }
0x2a: {  	s14 =	sadd.s32 $0x1600, s11;
	s0 =	sadd.s32 s1, s0;
	[dreg:$0x6] =	wrdreg s4  }
0x2b: {  	[smem:$0x7ED] =	sst s14;
	s21 =	sadd.s32 $0x2780, s0  }
0x2c: {  	s23 =	sadd.s32 $0x4F00, s0;
	[dreg:$0x7] =	wrdreg s21  }
0x2d: {  	s25 =	sadd.s32 $0x7680, s0;
	[dreg:$0x8] =	wrdreg s23  }
0x2e: {  	s28 =	sadd.s32 $0x9E00, s0;
	[dreg:$0x9] =	wrdreg s25  }
0x2f: {  	s30 =	sadd.s32 $0xC580, s0;
	[dreg:$0xa] =	wrdreg s28  }
0x30: {  	s5 =	sadd.s32 $0xED00, s0;
	[dreg:$0xb] =	wrdreg s30  }
0x31: {  	s0 =	sadd.s32 $0x11480, s0;
	[dreg:$0xc] =	wrdreg s5  }
0x32: {  	[dreg:$0xd] =	wrdreg s0;
	s21 =	sadd.s32 $0x1D00, s11  }
0x33: {  	s23 =	sadd.s32 $0x1F00, s11;
	[smem:$0x7F4] =	sst s21  }
0x34: {  	s25 =	sadd.s32 $0x2100, s11;
	[smem:$0x7F6] =	sst s23  }
0x35: {  	v0 =	vlaneseq.u32;
	s28 =	sadd.s32 $0x2300, s11;
	[smem:$0x7F8] =	sst s25  }
0x36: {  	v1 =	vshrl.u32 v0, $0x3;
	s30 =	sadd.s32 $0x2500, s11;
	[smem:$0x7FA] =	sst s28  }
0x37: {  	vm0 =	vmmov $0xffff;
	v0 =	vand.u32 $0x7, v0;
	v1 =	vmul.u32 $0x8, v1;
	s0 =	smax.u32 s2, $0x1;
	[smem:$0x7FC] =	sst s30  }
.LBB2_1:
0x38: {  	[smem:$0x7E7] =	sst s0  }
0x39: {  	s15 =	rddreg [dreg:$0x5];
	s11 =	simm.s32 $0x3  }
0x3a: {  	[tilespmem:s3], [sflag:$0x3] =	stream.linear.gather [hbm4b:s15+s3], $0x40, $0x38;
	[tilespmem:$0x15C80] =	vst v63  }
0x3b: {  	_ =	swait.ge [sflag:s11], $0x40  }
0x3c: {  	s12 =	rddreg [dreg:$0x4]  }
0x3d: {  	[sflag:s11] =	ssyncset.done $0x0;
	s16 =	rddreg [dreg:$0xe]  }
0x3e: {  	s17 =	rddreg [dreg:$0xf];
	[sflag:s11] =	ssyncadd.s32 $0xFFFFFFC0  }
0x3f: {  	[tilespmem:s17], [sflag:$0x2] =	stream.indirect.gather [hbm4b:s12+s16], $0x80, s3, s16, $0xb8;
	[tilespmem:$0x15C80] =	vst v63  }
0x40: {  	v2 =	vld.msk [tilespmem:$0x0], $0xff;
	_ =	sdelay $0x4  }
0x41: {  	v3 =	vshrl.u32 v2, $0x3  }
0x42: {  	v3 =	vmul.u32 $0x278, v3  }
0x43: {  	v2 =	vand.u32 $0x7, v2  }
0x44: {  	v2 =	vor.u32 v2, v3  }
0x45: {  	v2 =	vperm.xlane v2, v0;
	_ =	sdelay $0x1  }
0x46: {  	v2 =	vadd.s32 v1, v2;
	_ =	sdelay $0x2  }
0x47: {  	s1 =	rddreg [dreg:$0x10]  }
0x48: {  	s14 =	simm.s32 $0x80;
	s13 =	rddreg [dreg:$0x0]  }
0x49: {  	[tilespmem:s14], [sflag:$0x1] =	stream.indirect_vreg.gather [hbm4b:s13+s3], $0x80, v2, vm0, $0xb8;
	[tilespmem:$0x15C80] =	vst v63  }
0x4a: {  	s15 =	simm.s32 $0x880;
	s19 =	rddreg [dreg:$0x13]  }
0x4b: {  	[tilespmem:s15], [sflag:$0x1] =	stream.indirect_vreg.gather [hbm4b:s1+s3], $0x80, v2, vm0, $0xb8;
	[tilespmem:$0x15C80] =	vst v63  }
0x4c: {  	s16 =	rddreg [dreg:$0x11];
	s17 =	simm.s32 $0x1080  }
0x4d: {  	[tilespmem:s17], [sflag:$0x1] =	stream.indirect_vreg.gather [hbm4b:s16+s3], $0x80, v2, vm0, $0xb8;
	[tilespmem:$0x15C80] =	vst v63  }
0x4e: {  	s18 =	simm.s32 $0x1880;
	s16 =	rddreg [dreg:$0x12]  }
0x4f: {  	[tilespmem:s18], [sflag:$0x1] =	stream.indirect_vreg.gather [hbm4b:s16+s3], $0x80, v2, vm0, $0xb8;
	[tilespmem:$0x15C80] =	vst v63  }
0x50: {  	s21 =	simm.s32 $0x2080;
	s22 =	rddreg [dreg:$0x14]  }
0x51: {  	[tilespmem:s21], [sflag:$0x1] =	stream.indirect_vreg.gather [hbm4b:s19+s3], $0x80, v2, vm0, $0xb8;
	[tilespmem:$0x15C80] =	vst v63  }
0x52: {  	s23 =	simm.s32 $0x2880;
	s24 =	rddreg [dreg:$0x15]  }
0x53: {  	[tilespmem:s23], [sflag:$0x1] =	stream.indirect_vreg.gather [hbm4b:s22+s3], $0x80, v2, vm0, $0xb8;
	[tilespmem:$0x15C80] =	vst v63  }
0x54: {  	s26 =	simm.s32 $0x3080;
	s28 =	rddreg [dreg:$0x16]  }
0x55: {  	[tilespmem:s26], [sflag:$0x1] =	stream.indirect_vreg.gather [hbm4b:s24+s3], $0x80, v2, vm0, $0xb8;
	[tilespmem:$0x15C80] =	vst v63  }
0x56: {  	s2 =	simm.s32 $0x3880;
	s4 =	rddreg [dreg:$0x17]  }
0x57: {  	[tilespmem:s2], [sflag:$0x1] =	stream.indirect_vreg.gather [hbm4b:s28+s3], $0x80, v2, vm0, $0xb8;
	[tilespmem:$0x15C80] =	vst v63  }
0x58: {  	s5 =	simm.s32 $0x4080;
	s6 =	rddreg [dreg:$0x18]  }
0x59: {  	[tilespmem:s5], [sflag:$0x1] =	stream.indirect_vreg.gather [hbm4b:s4+s3], $0x80, v2, vm0, $0xb8;
	[tilespmem:$0x15C80] =	vst v63  }
0x5a: {  	s7 =	simm.s32 $0x4880;
	s8 =	rddreg [dreg:$0x19]  }
0x5b: {  	[tilespmem:s7], [sflag:$0x1] =	stream.indirect_vreg.gather [hbm4b:s6+s3], $0x80, v2, vm0, $0xb8;
	[tilespmem:$0x15C80] =	vst v63  }
0x5c: {  	s9 =	simm.s32 $0x5080;
	s10 =	rddreg [dreg:$0x1a]  }
0x5d: {  	[tilespmem:s9], [sflag:$0x1] =	stream.indirect_vreg.gather [hbm4b:s8+s3], $0x80, v2, vm0, $0xb8;
	[tilespmem:$0x15C80] =	vst v63  }
0x5e: {  	s0 =	rddreg [dreg:$0x1d];
	s11 =	simm.s32 $0x5880  }
0x5f: {  	[tilespmem:s11], [sflag:$0x1] =	stream.indirect_vreg.gather [hbm4b:s10+s3], $0x80, v2, vm0, $0xb8;
	[tilespmem:$0x15C80] =	vst v63  }
0x60: {  	s12 =	rddreg [dreg:$0x1b];
	s13 =	simm.s32 $0x6080  }
0x61: {  	[tilespmem:s13], [sflag:$0x1] =	stream.indirect_vreg.gather [hbm4b:s12+s3], $0x80, v2, vm0, $0xb8;
	[tilespmem:$0x15C80] =	vst v63  }
0x62: {  	s14 =	rddreg [dreg:$0x1c];
	s15 =	simm.s32 $0x6880  }
0x63: {  	[tilespmem:s15], [sflag:$0x1] =	stream.indirect_vreg.gather [hbm4b:s14+s3], $0x80, v2, vm0, $0xb8;
	[tilespmem:$0x15C80] =	vst v63  }
0x64: {  	s25 =	smov.u32 s19;
	s17 =	simm.s32 $0x7080;
	s19 =	rddreg [dreg:$0x1f]  }
0x65: {  	[tilespmem:s17], [sflag:$0x1] =	stream.indirect_vreg.gather [hbm4b:s0+s3], $0x80, v2, vm0, $0xb8;
	[tilespmem:$0x15C80] =	vst v63  }
0x66: {  	s18 =	simm.s32 $0x7880;
	s2 =	rddreg [dreg:$0x1e]  }
0x67: {  	[tilespmem:s18], [sflag:$0x1] =	stream.indirect_vreg.gather [hbm4b:s2+s3], $0x80, v2, vm0, $0xb8;
	[tilespmem:$0x15C80] =	vst v63  }
0x68: {  	s23 =	smov.u32 s4;
	s4 =	simm.s32 $0x8080;
	s12 =	sld [smem:$0x7E8]  }
0x69: {  	[tilespmem:s4], [sflag:$0x1] =	stream.indirect_vreg.gather [hbm4b:s19+s3], $0x80, v2, vm0, $0xb8;
	[tilespmem:$0x15C80] =	vst v63  }
0x6a: {  	s31 =	smov.u32 s24;
	s21 =	simm.s32 $0x8880;
	s24 =	sld [smem:$0x7E9]  }
0x6b: {  	[tilespmem:s21], [sflag:$0x1] =	stream.indirect_vreg.gather [hbm4b:s12+s3], $0x80, v2, vm0, $0xb8;
	[tilespmem:$0x15C80] =	vst v63  }
0x6c: {  	s30 =	smov.u32 s22;
	s5 =	simm.s32 $0x9080;
	s4 =	sld [smem:$0x7EA]  }
0x6d: {  	[tilespmem:s5], [sflag:$0x1] =	stream.indirect_vreg.gather [hbm4b:s24+s3], $0x80, v2, vm0, $0xb8;
	[tilespmem:$0x15C80] =	vst v63  }
0x6e: {  	s22 =	smov.u32 s28;
	s26 =	sld [smem:$0x7EB];
	s6 =	simm.s32 $0x9880  }
0x6f: {  	[tilespmem:s6], [sflag:$0x1] =	stream.indirect_vreg.gather [hbm4b:s4+s3], $0x80, v2, vm0, $0xb8;
	[tilespmem:$0x15C80] =	vst v63  }
0x70: {  	s7 =	simm.s32 $0xA080;
	s5 =	smov.u32 s24;
	s24 =	sld [smem:$0x7EC]  }
0x71: {  	[tilespmem:s7], [sflag:$0x1] =	stream.indirect_vreg.gather [hbm4b:s26+s3], $0x80, v2, vm0, $0xb8;
	[tilespmem:$0x15C80] =	vst v63  }
0x72: {  	s28 =	smov.u32 s8;
	s8 =	simm.s32 $0xA880;
	s6 =	sld [smem:$0x7ED]  }
0x73: {  	[tilespmem:s8], [sflag:$0x1] =	stream.indirect_vreg.gather [hbm4b:s24+s3], $0x80, v2, vm0, $0xb8;
	[tilespmem:$0x15C80] =	vst v63  }
0x74: {  	s9 =	simm.s32 $0xB080;
	s2 =	sld [smem:$0x7EE]  }
0x75: {  	[tilespmem:s9], [sflag:$0x1] =	stream.indirect_vreg.gather [hbm4b:s6+s3], $0x80, v2, vm0, $0xb8;
	[tilespmem:$0x15C80] =	vst v63  }
0x76: {  	s10 =	simm.s32 $0xB880;
	s8 =	sld [smem:$0x7EF]  }
0x77: {  	[tilespmem:s10], [sflag:$0x1] =	stream.indirect_vreg.gather [hbm4b:s2+s3], $0x80, v2, vm0, $0xb8;
	[tilespmem:$0x15C80] =	vst v63  }
0x78: {  	s11 =	simm.s32 $0xC080;
	s7 =	sld [smem:$0x7F0]  }
0x79: {  	[tilespmem:s11], [sflag:$0x1] =	stream.indirect_vreg.gather [hbm4b:s8+s3], $0x80, v2, vm0, $0xb8;
	[tilespmem:$0x15C80] =	vst v63  }
0x7a: {  	s13 =	simm.s32 $0xC880  }
0x7b: {  	[tilespmem:s13], [sflag:$0x1] =	stream.indirect_vreg.gather [hbm4b:s7+s3], $0x80, v2, vm0, $0xb8;
	[tilespmem:$0x15C80] =	vst v63  }
0x7c: {  	s13 =	sld [smem:$0x7F1];
	_ =	sdelay $0x1  }
0x7d: {  	s9 =	simm.s32 $0xD080;
	s10 =	sld [smem:$0x7F2]  }
0x7e: {  	[tilespmem:s9], [sflag:$0x1] =	stream.indirect_vreg.gather [hbm4b:s13+s3], $0x80, v2, vm0, $0xb8;
	[tilespmem:$0x15C80] =	vst v63  }
0x7f: {  	s11 =	simm.s32 $0xD880  }
0x80: {  	[tilespmem:s11], [sflag:$0x1] =	stream.indirect_vreg.gather [hbm4b:s10+s3], $0x80, v2, vm0, $0xb8;
	[tilespmem:$0x15C80] =	vst v63  }
0x81: {  	s11 =	sld [smem:$0x7F3];
	_ =	sdelay $0x1  }
0x82: {  	s14 =	simm.s32 $0xE080;
	s9 =	sld [smem:$0x7F4]  }
0x83: {  	[tilespmem:s14], [sflag:$0x1] =	stream.indirect_vreg.gather [hbm4b:s11+s3], $0x80, v2, vm0, $0xb8;
	[tilespmem:$0x15C80] =	vst v63  }
0x84: {  	s17 =	simm.s32 $0xE880;
	s18 =	sld [smem:$0x7F5]  }
0x85: {  	[tilespmem:s17], [sflag:$0x1] =	stream.indirect_vreg.gather [hbm4b:s9+s3], $0x80, v2, vm0, $0xb8;
	[tilespmem:$0x15C80] =	vst v63  }
0x86: {  	s19 =	simm.s32 $0xF080;
	s21 =	sld [smem:$0x7F6]  }
0x87: {  	[tilespmem:s19], [sflag:$0x1] =	stream.indirect_vreg.gather [hbm4b:s18+s3], $0x80, v2, vm0, $0xb8;
	[tilespmem:$0x15C80] =	vst v63  }
0x88: {  	s26 =	simm.s32 $0xF880;
	s14 =	sld [smem:$0x7F7]  }
0x89: {  	[tilespmem:s26], [sflag:$0x1] =	stream.indirect_vreg.gather [hbm4b:s21+s3], $0x80, v2, vm0, $0xb8;
	[tilespmem:$0x15C80] =	vst v63  }
0x8a: {  	s20 =	smov.u32 s1;
	s1 =	simm.s32 $0x10080;
	s2 =	sld [smem:$0x7F8]  }
0x8b: {  	[tilespmem:s1], [sflag:$0x1] =	stream.indirect_vreg.gather [hbm4b:s14+s3], $0x80, v2, vm0, $0xb8;
	[tilespmem:$0x15C80] =	vst v63  }
0x8c: {  	s7 =	simm.s32 $0x10880;
	s19 =	sld [smem:$0x7F9]  }
0x8d: {  	[tilespmem:s7], [sflag:$0x1] =	stream.indirect_vreg.gather [hbm4b:s2+s3], $0x80, v2, vm0, $0xb8;
	[tilespmem:$0x15C80] =	vst v63  }
0x8e: {  	s10 =	simm.s32 $0x11080;
	s17 =	sld [smem:$0x7FA]  }
0x8f: {  	[tilespmem:s10], [sflag:$0x1] =	stream.indirect_vreg.gather [hbm4b:s19+s3], $0x80, v2, vm0, $0xb8;
	[tilespmem:$0x15C80] =	vst v63  }
0x90: {  	s18 =	simm.s32 $0x11880;
	s21 =	sld [smem:$0x7FB]  }
0x91: {  	[tilespmem:s18], [sflag:$0x1] =	stream.indirect_vreg.gather [hbm4b:s17+s3], $0x80, v2, vm0, $0xb8;
	[tilespmem:$0x15C80] =	vst v63  }
0x92: {  	s26 =	simm.s32 $0x12080  }
0x93: {  	[tilespmem:s26], [sflag:$0x1] =	stream.indirect_vreg.gather [hbm4b:s21+s3], $0x80, v2, vm0, $0xb8;
	[tilespmem:$0x15C80] =	vst v63  }
0x94: {  	s26 =	sld [smem:$0x7FC];
	_ =	sdelay $0x1  }
0x95: {  	s1 =	simm.s32 $0x12880;
	s17 =	sld [smem:$0x7FD]  }
0x96: {  	[tilespmem:s1], [sflag:$0x1] =	stream.indirect_vreg.gather [hbm4b:s26+s3], $0x80, v2, vm0, $0xb8;
	[tilespmem:$0x15C80] =	vst v63  }
0x97: {  	s2 =	simm.s32 $0x13080;
	s7 =	simm.s32 $0x1  }
0x98: {  	[tilespmem:s2], [sflag:$0x1] =	stream.indirect_vreg.gather [hbm4b:s17+s3], $0x80, v2, vm0, $0xb8;
	[tilespmem:$0x15C80] =	vst v63  }
0x99: {  	_ =	swait.ge [sflag:s7], $0x13800  }
0x9a: {  	[sflag:s7] =	ssyncset.done $0x0  }
0x9b: {  	s10 =	simm.s32 $0x2;
	[sflag:s7] =	ssyncadd.s32 $0xFFFEC800  }
0x9c: {  	_ =	swait.ge [sflag:s10], $0x2000  }
0x9d: {  	[sflag:s10] =	ssyncset.done $0x0  }
0x9e: {  	[sflag:s10] =	ssyncadd.s32 $0xFFFFE000  }
0x9f: {  	v2 =	vld [tilespmem:$0x13CF0]  }
0xa0: {  	v3 =	vld [tilespmem:$0x13D70]  }
0xa1: {  	v4 =	vld [tilespmem:$0x13DF0]  }
0xa2: {  	v5 =	vld [tilespmem:$0x13E70]  }
0xa3: {  	v6 =	vld [tilespmem:$0x13EF0]  }
0xa4: {  	v35 =	vld [tilespmem:$0x14070];
	[tilespmem:$0x13880] =	vst v2  }
0xa5: {  	v2 =	vld [tilespmem:$0x13F70];
	[tilespmem:$0x13900] =	vst v3  }
0xa6: {  	v3 =	vld [tilespmem:$0x13FF0];
	[tilespmem:$0x13980] =	vst v4  }
0xa7: {  	[tilespmem:$0x13A00] =	vst v5  }
0xa8: {  	[tilespmem:$0x13A80] =	vst v6  }
0xa9: {  	[tilespmem:$0x13C00] =	vst v35  }
0xaa: {  	[tilespmem:$0x13B00] =	vst v2  }
0xab: {  	s21 =	simm.s32 $0x80;
	s7 =	simm.s32 $0x3;
	s18 =	rddreg [dreg:$0x6];
	[tilespmem:$0x13B80] =	vst v3  }
0xac: {  	[hbm4b:s18+s3] =	stream.linear.scatter [tilespmem:s21], [sflag:$0x3], $0x13C00, $0x38;
	[tilespmem:$0x15C80] =	vst v63  }
0xad: {  	_ =	swait.ge [sflag:s7], $0x13C00  }
0xae: {  	[sflag:s7] =	ssyncset.done $0x0  }
0xaf: {  	[sflag:s7] =	ssyncadd.s32 $0xFFFEC400  }
0xb0: {  	v2 =	vld.msk [tilespmem:$0x8], $0xff;
	_ =	sdelay $0x4  }
0xb1: {  	v3 =	vshrl.u32 v2, $0x3  }
0xb2: {  	v3 =	vmul.u32 $0x278, v3  }
0xb3: {  	v2 =	vand.u32 $0x7, v2  }
0xb4: {  	v2 =	vor.u32 v2, v3  }
0xb5: {  	v2 =	vperm.xlane v2, v0;
	_ =	sdelay $0x1  }
0xb6: {  	v2 =	vadd.s32 v1, v2;
	_ =	sdelay $0x3  }
0xb7: {  	s1 =	rddreg [dreg:$0x0]  }
0xb8: {  	[tilespmem:s21], [sflag:$0x1] =	stream.indirect_vreg.gather [hbm4b:s1+s3], $0x80, v2, vm0, $0xb8;
	[tilespmem:$0x15C80] =	vst v63  }
0xb9: {  	s10 =	simm.s32 $0x880  }
0xba: {  	[tilespmem:s10], [sflag:$0x1] =	stream.indirect_vreg.gather [hbm4b:s20+s3], $0x80, v2, vm0, $0xb8;
	[tilespmem:$0x15C80] =	vst v63  }
0xbb: {  	s15 =	simm.s32 $0x1080;
	s21 =	rddreg [dreg:$0x11]  }
0xbc: {  	[tilespmem:s15], [sflag:$0x1] =	stream.indirect_vreg.gather [hbm4b:s21+s3], $0x80, v2, vm0, $0xb8;
	[tilespmem:$0x15C80] =	vst v63  }
0xbd: {  	s18 =	simm.s32 $0x1880  }
0xbe: {  	[tilespmem:s18], [sflag:$0x1] =	stream.indirect_vreg.gather [hbm4b:s16+s3], $0x80, v2, vm0, $0xb8;
	[tilespmem:$0x15C80] =	vst v63  }
0xbf: {  	s29 =	simm.s32 $0x2080  }
0xc0: {  	[tilespmem:s29], [sflag:$0x1] =	stream.indirect_vreg.gather [hbm4b:s25+s3], $0x80, v2, vm0, $0xb8;
	[tilespmem:$0x15C80] =	vst v63  }
0xc1: {  	s29 =	simm.s32 $0x2880  }
0xc2: {  	[tilespmem:s29], [sflag:$0x1] =	stream.indirect_vreg.gather [hbm4b:s30+s3], $0x80, v2, vm0, $0xb8;
	[tilespmem:$0x15C80] =	vst v63  }
0xc3: {  	s7 =	smov.u32 s30;
	s30 =	simm.s32 $0x3080  }
0xc4: {  	[tilespmem:s30], [sflag:$0x1] =	stream.indirect_vreg.gather [hbm4b:s31+s3], $0x80, v2, vm0, $0xb8;
	[tilespmem:$0x15C80] =	vst v63  }
0xc5: {  	s10 =	smov.u32 s31;
	s31 =	simm.s32 $0x3880  }
0xc6: {  	[tilespmem:s31], [sflag:$0x1] =	stream.indirect_vreg.gather [hbm4b:s22+s3], $0x80, v2, vm0, $0xb8;
	[tilespmem:$0x15C80] =	vst v63  }
0xc7: {  	s15 =	simm.s32 $0x4080  }
0xc8: {  	[tilespmem:s15], [sflag:$0x1] =	stream.indirect_vreg.gather [hbm4b:s23+s3], $0x80, v2, vm0, $0xb8;
	[tilespmem:$0x15C80] =	vst v63  }
0xc9: {  	s18 =	simm.s32 $0x4880;
	s25 =	rddreg [dreg:$0x18]  }
0xca: {  	[tilespmem:s18], [sflag:$0x1] =	stream.indirect_vreg.gather [hbm4b:s25+s3], $0x80, v2, vm0, $0xb8;
	[tilespmem:$0x15C80] =	vst v63  }
0xcb: {  	s29 =	simm.s32 $0x5080  }
0xcc: {  	[tilespmem:s29], [sflag:$0x1] =	stream.indirect_vreg.gather [hbm4b:s28+s3], $0x80, v2, vm0, $0xb8;
	[tilespmem:$0x15C80] =	vst v63  }
0xcd: {  	s30 =	simm.s32 $0x5880;
	s28 =	rddreg [dreg:$0x1a]  }
0xce: {  	[tilespmem:s30], [sflag:$0x1] =	stream.indirect_vreg.gather [hbm4b:s28+s3], $0x80, v2, vm0, $0xb8;
	[tilespmem:$0x15C80] =	vst v63  }
0xcf: {  	s31 =	simm.s32 $0x6080;
	s29 =	rddreg [dreg:$0x1b]  }
0xd0: {  	[tilespmem:s31], [sflag:$0x1] =	stream.indirect_vreg.gather [hbm4b:s29+s3], $0x80, v2, vm0, $0xb8;
	[tilespmem:$0x15C80] =	vst v63  }
0xd1: {  	s15 =	simm.s32 $0x6880;
	s30 =	rddreg [dreg:$0x1c]  }
0xd2: {  	[tilespmem:s15], [sflag:$0x1] =	stream.indirect_vreg.gather [hbm4b:s30+s3], $0x80, v2, vm0, $0xb8;
	[tilespmem:$0x15C80] =	vst v63  }
0xd3: {  	s18 =	simm.s32 $0x7080  }
0xd4: {  	[tilespmem:s18], [sflag:$0x1] =	stream.indirect_vreg.gather [hbm4b:s0+s3], $0x80, v2, vm0, $0xb8;
	[tilespmem:$0x15C80] =	vst v63  }
0xd5: {  	s31 =	simm.s32 $0x7880;
	s18 =	rddreg [dreg:$0x1e]  }
0xd6: {  	[tilespmem:s31], [sflag:$0x1] =	stream.indirect_vreg.gather [hbm4b:s18+s3], $0x80, v2, vm0, $0xb8;
	[tilespmem:$0x15C80] =	vst v63  }
0xd7: {  	s2 =	simm.s32 $0x8080;
	s31 =	rddreg [dreg:$0x1f]  }
0xd8: {  	[tilespmem:s2], [sflag:$0x1] =	stream.indirect_vreg.gather [hbm4b:s31+s3], $0x80, v2, vm0, $0xb8;
	[tilespmem:$0x15C80] =	vst v63  }
0xd9: {  	s15 =	simm.s32 $0x8880  }
0xda: {  	[tilespmem:s15], [sflag:$0x1] =	stream.indirect_vreg.gather [hbm4b:s12+s3], $0x80, v2, vm0, $0xb8;
	[tilespmem:$0x15C80] =	vst v63  }
0xdb: {  	s2 =	simm.s32 $0x9080  }
0xdc: {  	[tilespmem:s2], [sflag:$0x1] =	stream.indirect_vreg.gather [hbm4b:s5+s3], $0x80, v2, vm0, $0xb8;
	[tilespmem:$0x15C80] =	vst v63  }
0xdd: {  	s12 =	simm.s32 $0x9880  }
0xde: {  	[tilespmem:s12], [sflag:$0x1] =	stream.indirect_vreg.gather [hbm4b:s4+s3], $0x80, v2, vm0, $0xb8;
	[tilespmem:$0x15C80] =	vst v63  }
0xdf: {  	s4 =	sld [smem:$0x7EB];
	_ =	sdelay $0x1  }
0xe0: {  	s15 =	simm.s32 $0xA080  }
0xe1: {  	[tilespmem:s15], [sflag:$0x1] =	stream.indirect_vreg.gather [hbm4b:s4+s3], $0x80, v2, vm0, $0xb8;
	[tilespmem:$0x15C80] =	vst v63  }
0xe2: {  	s2 =	simm.s32 $0xA880  }
0xe3: {  	[tilespmem:s2], [sflag:$0x1] =	stream.indirect_vreg.gather [hbm4b:s24+s3], $0x80, v2, vm0, $0xb8;
	[tilespmem:$0x15C80] =	vst v63  }
0xe4: {  	s12 =	simm.s32 $0xB080;
	s2 =	sld [smem:$0x7EE]  }
0xe5: {  	[tilespmem:s12], [sflag:$0x1] =	stream.indirect_vreg.gather [hbm4b:s6+s3], $0x80, v2, vm0, $0xb8;
	[tilespmem:$0x15C80] =	vst v63  }
0xe6: {  	s15 =	simm.s32 $0xB880  }
0xe7: {  	[tilespmem:s15], [sflag:$0x1] =	stream.indirect_vreg.gather [hbm4b:s2+s3], $0x80, v2, vm0, $0xb8;
	[tilespmem:$0x15C80] =	vst v63  }
0xe8: {  	s12 =	simm.s32 $0xC080  }
0xe9: {  	[tilespmem:s12], [sflag:$0x1] =	stream.indirect_vreg.gather [hbm4b:s8+s3], $0x80, v2, vm0, $0xb8;
	[tilespmem:$0x15C80] =	vst v63  }
0xea: {  	s12 =	sld [smem:$0x7F0];
	_ =	sdelay $0x1  }
0xeb: {  	s15 =	simm.s32 $0xC880  }
0xec: {  	[tilespmem:s15], [sflag:$0x1] =	stream.indirect_vreg.gather [hbm4b:s12+s3], $0x80, v2, vm0, $0xb8;
	[tilespmem:$0x15C80] =	vst v63  }
0xed: {  	s0 =	sld [smem:$0x7F2];
	s15 =	simm.s32 $0xD080  }
0xee: {  	[tilespmem:s15], [sflag:$0x1] =	stream.indirect_vreg.gather [hbm4b:s13+s3], $0x80, v2, vm0, $0xb8;
	[tilespmem:$0x15C80] =	vst v63  }
0xef: {  	s15 =	simm.s32 $0xD880  }
0xf0: {  	[tilespmem:s15], [sflag:$0x1] =	stream.indirect_vreg.gather [hbm4b:s0+s3], $0x80, v2, vm0, $0xb8;
	[tilespmem:$0x15C80] =	vst v63  }
0xf1: {  	s0 =	simm.s32 $0xE080  }
0xf2: {  	[tilespmem:s0], [sflag:$0x1] =	stream.indirect_vreg.gather [hbm4b:s11+s3], $0x80, v2, vm0, $0xb8;
	[tilespmem:$0x15C80] =	vst v63  }
0xf3: {  	s0 =	simm.s32 $0xE880;
	s11 =	sld [smem:$0x7F5]  }
0xf4: {  	[tilespmem:s0], [sflag:$0x1] =	stream.indirect_vreg.gather [hbm4b:s9+s3], $0x80, v2, vm0, $0xb8;
	[tilespmem:$0x15C80] =	vst v63  }
0xf5: {  	s15 =	simm.s32 $0xF080  }
0xf6: {  	[tilespmem:s15], [sflag:$0x1] =	stream.indirect_vreg.gather [hbm4b:s11+s3], $0x80, v2, vm0, $0xb8;
	[tilespmem:$0x15C80] =	vst v63  }
0xf7: {  	s9 =	sld [smem:$0x7F6];
	_ =	sdelay $0x1  }
0xf8: {  	s0 =	simm.s32 $0xF880  }
0xf9: {  	[tilespmem:s0], [sflag:$0x1] =	stream.indirect_vreg.gather [hbm4b:s9+s3], $0x80, v2, vm0, $0xb8;
	[tilespmem:$0x15C80] =	vst v63  }
0xfa: {  	s0 =	simm.s32 $0x10080  }
0xfb: {  	[tilespmem:s0], [sflag:$0x1] =	stream.indirect_vreg.gather [hbm4b:s14+s3], $0x80, v2, vm0, $0xb8;
	[tilespmem:$0x15C80] =	vst v63  }
0xfc: {  	s14 =	sld [smem:$0x7F8];
	_ =	sdelay $0x1  }
0xfd: {  	s0 =	simm.s32 $0x10880  }
0xfe: {  	[tilespmem:s0], [sflag:$0x1] =	stream.indirect_vreg.gather [hbm4b:s14+s3], $0x80, v2, vm0, $0xb8;
	[tilespmem:$0x15C80] =	vst v63  }
0xff: {  	s15 =	sld [smem:$0x7FA];
	s0 =	simm.s32 $0x11080  }
0x100: {  	[tilespmem:s0], [sflag:$0x1] =	stream.indirect_vreg.gather [hbm4b:s19+s3], $0x80, v2, vm0, $0xb8;
	[tilespmem:$0x15C80] =	vst v63  }
0x101: {  	s0 =	simm.s32 $0x11880  }
0x102: {  	[tilespmem:s0], [sflag:$0x1] =	stream.indirect_vreg.gather [hbm4b:s15+s3], $0x80, v2, vm0, $0xb8;
	[tilespmem:$0x15C80] =	vst v63  }
0x103: {  	s15 =	sld [smem:$0x7FB];
	_ =	sdelay $0x1  }
0x104: {  	s0 =	simm.s32 $0x12080  }
0x105: {  	[tilespmem:s0], [sflag:$0x1] =	stream.indirect_vreg.gather [hbm4b:s15+s3], $0x80, v2, vm0, $0xb8;
	[tilespmem:$0x15C80] =	vst v63  }
0x106: {  	s15 =	simm.s32 $0x12880  }
0x107: {  	[tilespmem:s15], [sflag:$0x1] =	stream.indirect_vreg.gather [hbm4b:s26+s3], $0x80, v2, vm0, $0xb8;
	[tilespmem:$0x15C80] =	vst v63  }
0x108: {  	s0 =	simm.s32 $0x1;
	s26 =	simm.s32 $0x13080  }
0x109: {  	[tilespmem:s26], [sflag:$0x1] =	stream.indirect_vreg.gather [hbm4b:s17+s3], $0x80, v2, vm0, $0xb8;
	[tilespmem:$0x15C80] =	vst v63  }
0x10a: {  	_ =	swait.ge [sflag:s0], $0x13800  }
0x10b: {  	[sflag:s0] =	ssyncset.done $0x0  }
0x10c: {  	[sflag:s0] =	ssyncadd.s32 $0xFFFEC800  }
0x10d: {  	v2 =	vld [tilespmem:$0x140F0]  }
0x10e: {  	v3 =	vld [tilespmem:$0x14170]  }
0x10f: {  	v36 =	vld [tilespmem:$0x141F0]  }
0x110: {  	v37 =	vld [tilespmem:$0x14270]  }
0x111: {  	v38 =	vld [tilespmem:$0x142F0]  }
0x112: {  	v39 =	vld [tilespmem:$0x14470];
	[tilespmem:$0x13880] =	vst v2  }
0x113: {  	v2 =	vld [tilespmem:$0x14370];
	[tilespmem:$0x13900] =	vst v3  }
0x114: {  	v3 =	vld [tilespmem:$0x143F0];
	[tilespmem:$0x13980] =	vst v36  }
0x115: {  	[tilespmem:$0x13A00] =	vst v37  }
0x116: {  	[tilespmem:$0x13A80] =	vst v38  }
0x117: {  	[tilespmem:$0x13C00] =	vst v39  }
0x118: {  	[tilespmem:$0x13B00] =	vst v2  }
0x119: {  	s26 =	simm.s32 $0x80;
	s17 =	rddreg [dreg:$0x7];
	s0 =	simm.s32 $0x3;
	[tilespmem:$0x13B80] =	vst v3  }
0x11a: {  	[hbm4b:s17+s3] =	stream.linear.scatter [tilespmem:s26], [sflag:$0x3], $0x13C00, $0x38;
	[tilespmem:$0x15C80] =	vst v63  }
0x11b: {  	_ =	swait.ge [sflag:s0], $0x13C00  }
0x11c: {  	[sflag:s0] =	ssyncset.done $0x0  }
0x11d: {  	[sflag:s0] =	ssyncadd.s32 $0xFFFEC400  }
0x11e: {  	v2 =	vld.msk [tilespmem:$0x10], $0xff;
	_ =	sdelay $0x4  }
0x11f: {  	v3 =	vshrl.u32 v2, $0x3  }
0x120: {  	v3 =	vmul.u32 $0x278, v3  }
0x121: {  	v2 =	vand.u32 $0x7, v2  }
0x122: {  	v2 =	vor.u32 v2, v3  }
0x123: {  	v2 =	vperm.xlane v2, v0;
	_ =	sdelay $0x1  }
0x124: {  	v2 =	vadd.s32 v1, v2;
	_ =	sdelay $0x4  }
0x125: {  	[tilespmem:s26], [sflag:$0x1] =	stream.indirect_vreg.gather [hbm4b:s1+s3], $0x80, v2, vm0, $0xb8;
	[tilespmem:$0x15C80] =	vst v63  }
0x126: {  	s15 =	simm.s32 $0x880  }
0x127: {  	[tilespmem:s15], [sflag:$0x1] =	stream.indirect_vreg.gather [hbm4b:s20+s3], $0x80, v2, vm0, $0xb8;
	[tilespmem:$0x15C80] =	vst v63  }
0x128: {  	s17 =	simm.s32 $0x1080  }
0x129: {  	[tilespmem:s17], [sflag:$0x1] =	stream.indirect_vreg.gather [hbm4b:s21+s3], $0x80, v2, vm0, $0xb8;
	[tilespmem:$0x15C80] =	vst v63  }
0x12a: {  	s21 =	simm.s32 $0x1880  }
0x12b: {  	[tilespmem:s21], [sflag:$0x1] =	stream.indirect_vreg.gather [hbm4b:s16+s3], $0x80, v2, vm0, $0xb8;
	[tilespmem:$0x15C80] =	vst v63  }
0x12c: {  	s26 =	simm.s32 $0x2080;
	s17 =	rddreg [dreg:$0x13]  }
0x12d: {  	[tilespmem:s26], [sflag:$0x1] =	stream.indirect_vreg.gather [hbm4b:s17+s3], $0x80, v2, vm0, $0xb8;
	[tilespmem:$0x15C80] =	vst v63  }
0x12e: {  	s0 =	simm.s32 $0x2880;
	s16 =	smov.u32 s7  }
0x12f: {  	[tilespmem:s0], [sflag:$0x1] =	stream.indirect_vreg.gather [hbm4b:s16+s3], $0x80, v2, vm0, $0xb8;
	[tilespmem:$0x15C80] =	vst v63  }
0x130: {  	s1 =	simm.s32 $0x3080  }
0x131: {  	[tilespmem:s1], [sflag:$0x1] =	stream.indirect_vreg.gather [hbm4b:s10+s3], $0x80, v2, vm0, $0xb8;
	[tilespmem:$0x15C80] =	vst v63  }
0x132: {  	s15 =	simm.s32 $0x3880  }
0x133: {  	[tilespmem:s15], [sflag:$0x1] =	stream.indirect_vreg.gather [hbm4b:s22+s3], $0x80, v2, vm0, $0xb8;
	[tilespmem:$0x15C80] =	vst v63  }
0x134: {  	s21 =	simm.s32 $0x4080  }
0x135: {  	[tilespmem:s21], [sflag:$0x1] =	stream.indirect_vreg.gather [hbm4b:s23+s3], $0x80, v2, vm0, $0xb8;
	[tilespmem:$0x15C80] =	vst v63  }
0x136: {  	s22 =	simm.s32 $0x4880  }
0x137: {  	[tilespmem:s22], [sflag:$0x1] =	stream.indirect_vreg.gather [hbm4b:s25+s3], $0x80, v2, vm0, $0xb8;
	[tilespmem:$0x15C80] =	vst v63  }
0x138: {  	s26 =	rddreg [dreg:$0x19];
	s23 =	simm.s32 $0x5080  }
0x139: {  	[tilespmem:s23], [sflag:$0x1] =	stream.indirect_vreg.gather [hbm4b:s26+s3], $0x80, v2, vm0, $0xb8;
	[tilespmem:$0x15C80] =	vst v63  }
0x13a: {  	s0 =	simm.s32 $0x5880  }
0x13b: {  	[tilespmem:s0], [sflag:$0x1] =	stream.indirect_vreg.gather [hbm4b:s28+s3], $0x80, v2, vm0, $0xb8;
	[tilespmem:$0x15C80] =	vst v63  }
0x13c: {  	s7 =	simm.s32 $0x6080  }
0x13d: {  	[tilespmem:s7], [sflag:$0x1] =	stream.indirect_vreg.gather [hbm4b:s29+s3], $0x80, v2, vm0, $0xb8;
	[tilespmem:$0x15C80] =	vst v63  }
0x13e: {  	s10 =	simm.s32 $0x6880  }
0x13f: {  	[tilespmem:s10], [sflag:$0x1] =	stream.indirect_vreg.gather [hbm4b:s30+s3], $0x80, v2, vm0, $0xb8;
	[tilespmem:$0x15C80] =	vst v63  }
0x140: {  	s1 =	rddreg [dreg:$0x1d];
	s15 =	simm.s32 $0x7080  }
0x141: {  	[tilespmem:s15], [sflag:$0x1] =	stream.indirect_vreg.gather [hbm4b:s1+s3], $0x80, v2, vm0, $0xb8;
	[tilespmem:$0x15C80] =	vst v63  }
0x142: {  	s21 =	simm.s32 $0x7880  }
0x143: {  	[tilespmem:s21], [sflag:$0x1] =	stream.indirect_vreg.gather [hbm4b:s18+s3], $0x80, v2, vm0, $0xb8;
	[tilespmem:$0x15C80] =	vst v63  }
0x144: {  	s23 =	simm.s32 $0x8080  }
0x145: {  	[tilespmem:s23], [sflag:$0x1] =	stream.indirect_vreg.gather [hbm4b:s31+s3], $0x80, v2, vm0, $0xb8;
	[tilespmem:$0x15C80] =	vst v63  }
0x146: {  	s23 =	sld [smem:$0x7E8];
	_ =	sdelay $0x1  }
0x147: {  	s0 =	simm.s32 $0x8880  }
0x148: {  	[tilespmem:s0], [sflag:$0x1] =	stream.indirect_vreg.gather [hbm4b:s23+s3], $0x80, v2, vm0, $0xb8;
	[tilespmem:$0x15C80] =	vst v63  }
0x149: {  	s10 =	smov.u32 s31;
	s15 =	simm.s32 $0x9080;
	s31 =	sld [smem:$0x7EA]  }
0x14a: {  	[tilespmem:s15], [sflag:$0x1] =	stream.indirect_vreg.gather [hbm4b:s5+s3], $0x80, v2, vm0, $0xb8;
	[tilespmem:$0x15C80] =	vst v63  }
0x14b: {  	s22 =	smov.u32 s18;
	s18 =	simm.s32 $0x9880  }
0x14c: {  	[tilespmem:s18], [sflag:$0x1] =	stream.indirect_vreg.gather [hbm4b:s31+s3], $0x80, v2, vm0, $0xb8;
	[tilespmem:$0x15C80] =	vst v63  }
0x14d: {  	s21 =	simm.s32 $0xA080  }
0x14e: {  	[tilespmem:s21], [sflag:$0x1] =	stream.indirect_vreg.gather [hbm4b:s4+s3], $0x80, v2, vm0, $0xb8;
	[tilespmem:$0x15C80] =	vst v63  }
0x14f: {  	s0 =	simm.s32 $0xA880  }
0x150: {  	[tilespmem:s0], [sflag:$0x1] =	stream.indirect_vreg.gather [hbm4b:s24+s3], $0x80, v2, vm0, $0xb8;
	[tilespmem:$0x15C80] =	vst v63  }
0x151: {  	s5 =	simm.s32 $0xB080  }
0x152: {  	[tilespmem:s5], [sflag:$0x1] =	stream.indirect_vreg.gather [hbm4b:s6+s3], $0x80, v2, vm0, $0xb8;
	[tilespmem:$0x15C80] =	vst v63  }
0x153: {  	s6 =	simm.s32 $0xB880  }
0x154: {  	[tilespmem:s6], [sflag:$0x1] =	stream.indirect_vreg.gather [hbm4b:s2+s3], $0x80, v2, vm0, $0xb8;
	[tilespmem:$0x15C80] =	vst v63  }
0x155: {  	s7 =	simm.s32 $0xC080  }
0x156: {  	[tilespmem:s7], [sflag:$0x1] =	stream.indirect_vreg.gather [hbm4b:s8+s3], $0x80, v2, vm0, $0xb8;
	[tilespmem:$0x15C80] =	vst v63  }
0x157: {  	s8 =	simm.s32 $0xC880  }
0x158: {  	[tilespmem:s8], [sflag:$0x1] =	stream.indirect_vreg.gather [hbm4b:s12+s3], $0x80, v2, vm0, $0xb8;
	[tilespmem:$0x15C80] =	vst v63  }
0x159: {  	s7 =	sld [smem:$0x7F2];
	s12 =	simm.s32 $0xD080  }
0x15a: {  	[tilespmem:s12], [sflag:$0x1] =	stream.indirect_vreg.gather [hbm4b:s13+s3], $0x80, v2, vm0, $0xb8;
	[tilespmem:$0x15C80] =	vst v63  }
0x15b: {  	s15 =	simm.s32 $0xD880;
	s5 =	sld [smem:$0x7F3]  }
0x15c: {  	[tilespmem:s15], [sflag:$0x1] =	stream.indirect_vreg.gather [hbm4b:s7+s3], $0x80, v2, vm0, $0xb8;
	[tilespmem:$0x15C80] =	vst v63  }
0x15d: {  	s18 =	simm.s32 $0xE080;
	s6 =	sld [smem:$0x7F4]  }
0x15e: {  	[tilespmem:s18], [sflag:$0x1] =	stream.indirect_vreg.gather [hbm4b:s5+s3], $0x80, v2, vm0, $0xb8;
	[tilespmem:$0x15C80] =	vst v63  }
0x15f: {  	s21 =	simm.s32 $0xE880  }
0x160: {  	[tilespmem:s21], [sflag:$0x1] =	stream.indirect_vreg.gather [hbm4b:s6+s3], $0x80, v2, vm0, $0xb8;
	[tilespmem:$0x15C80] =	vst v63  }
0x161: {  	s2 =	simm.s32 $0xF080  }
0x162: {  	[tilespmem:s2], [sflag:$0x1] =	stream.indirect_vreg.gather [hbm4b:s11+s3], $0x80, v2, vm0, $0xb8;
	[tilespmem:$0x15C80] =	vst v63  }
0x163: {  	s4 =	simm.s32 $0xF880  }
0x164: {  	[tilespmem:s4], [sflag:$0x1] =	stream.indirect_vreg.gather [hbm4b:s9+s3], $0x80, v2, vm0, $0xb8;
	[tilespmem:$0x15C80] =	vst v63  }
0x165: {  	s9 =	sld [smem:$0x7F7];
	_ =	sdelay $0x1  }
0x166: {  	s8 =	simm.s32 $0x10080  }
0x167: {  	[tilespmem:s8], [sflag:$0x1] =	stream.indirect_vreg.gather [hbm4b:s9+s3], $0x80, v2, vm0, $0xb8;
	[tilespmem:$0x15C80] =	vst v63  }
0x168: {  	s11 =	simm.s32 $0x10880  }
0x169: {  	[tilespmem:s11], [sflag:$0x1] =	stream.indirect_vreg.gather [hbm4b:s14+s3], $0x80, v2, vm0, $0xb8;
	[tilespmem:$0x15C80] =	vst v63  }
0x16a: {  	s12 =	simm.s32 $0x11080;
	s13 =	sld [smem:$0x7FA]  }
0x16b: {  	[tilespmem:s12], [sflag:$0x1] =	stream.indirect_vreg.gather [hbm4b:s19+s3], $0x80, v2, vm0, $0xb8;
	[tilespmem:$0x15C80] =	vst v63  }
0x16c: {  	s15 =	simm.s32 $0x11880;
	s11 =	sld [smem:$0x7FB]  }
0x16d: {  	[tilespmem:s15], [sflag:$0x1] =	stream.indirect_vreg.gather [hbm4b:s13+s3], $0x80, v2, vm0, $0xb8;
	[tilespmem:$0x15C80] =	vst v63  }
0x16e: {  	s18 =	simm.s32 $0x12080;
	s21 =	sld [smem:$0x7FC]  }
0x16f: {  	[tilespmem:s18], [sflag:$0x1] =	stream.indirect_vreg.gather [hbm4b:s11+s3], $0x80, v2, vm0, $0xb8;
	[tilespmem:$0x15C80] =	vst v63  }
0x170: {  	s2 =	sld [smem:$0x7FD];
	s19 =	simm.s32 $0x12880  }
0x171: {  	[tilespmem:s19], [sflag:$0x1] =	stream.indirect_vreg.gather [hbm4b:s21+s3], $0x80, v2, vm0, $0xb8;
	[tilespmem:$0x15C80] =	vst v63  }
0x172: {  	s4 =	simm.s32 $0x13080;
	s8 =	simm.s32 $0x1  }
0x173: {  	[tilespmem:s4], [sflag:$0x1] =	stream.indirect_vreg.gather [hbm4b:s2+s3], $0x80, v2, vm0, $0xb8;
	[tilespmem:$0x15C80] =	vst v63  }
0x174: {  	_ =	swait.ge [sflag:s8], $0x13800  }
0x175: {  	[sflag:s8] =	ssyncset.done $0x0  }
0x176: {  	[sflag:s8] =	ssyncadd.s32 $0xFFFEC800  }
0x177: {  	v2 =	vld [tilespmem:$0x144F0]  }
0x178: {  	v3 =	vld [tilespmem:$0x14570]  }
0x179: {  	v40 =	vld [tilespmem:$0x145F0]  }
0x17a: {  	v41 =	vld [tilespmem:$0x14670]  }
0x17b: {  	v42 =	vld [tilespmem:$0x146F0]  }
0x17c: {  	v43 =	vld [tilespmem:$0x14870];
	[tilespmem:$0x13880] =	vst v2  }
0x17d: {  	v2 =	vld [tilespmem:$0x14770];
	[tilespmem:$0x13900] =	vst v3  }
0x17e: {  	v3 =	vld [tilespmem:$0x147F0];
	[tilespmem:$0x13980] =	vst v40  }
0x17f: {  	[tilespmem:$0x13A00] =	vst v41  }
0x180: {  	[tilespmem:$0x13A80] =	vst v42  }
0x181: {  	[tilespmem:$0x13C00] =	vst v43  }
0x182: {  	[tilespmem:$0x13B00] =	vst v2  }
0x183: {  	s13 =	simm.s32 $0x80;
	s15 =	simm.s32 $0x3;
	s12 =	rddreg [dreg:$0x8];
	[tilespmem:$0x13B80] =	vst v3  }
0x184: {  	[hbm4b:s12+s3] =	stream.linear.scatter [tilespmem:s13], [sflag:$0x3], $0x13C00, $0x38;
	[tilespmem:$0x15C80] =	vst v63  }
0x185: {  	_ =	swait.ge [sflag:s15], $0x13C00  }
0x186: {  	[sflag:s15] =	ssyncset.done $0x0  }
0x187: {  	[sflag:s15] =	ssyncadd.s32 $0xFFFEC400  }
0x188: {  	v2 =	vld.msk [tilespmem:$0x18], $0xff;
	_ =	sdelay $0x4  }
0x189: {  	v3 =	vshrl.u32 v2, $0x3  }
0x18a: {  	v3 =	vmul.u32 $0x278, v3  }
0x18b: {  	v2 =	vand.u32 $0x7, v2  }
0x18c: {  	v2 =	vor.u32 v2, v3  }
0x18d: {  	v2 =	vperm.xlane v2, v0;
	_ =	sdelay $0x1  }
0x18e: {  	v2 =	vadd.s32 v1, v2;
	_ =	sdelay $0x3  }
0x18f: {  	s18 =	rddreg [dreg:$0x0]  }
0x190: {  	[tilespmem:s13], [sflag:$0x1] =	stream.indirect_vreg.gather [hbm4b:s18+s3], $0x80, v2, vm0, $0xb8;
	[tilespmem:$0x15C80] =	vst v63  }
0x191: {  	s19 =	simm.s32 $0x880  }
0x192: {  	[tilespmem:s19], [sflag:$0x1] =	stream.indirect_vreg.gather [hbm4b:s20+s3], $0x80, v2, vm0, $0xb8;
	[tilespmem:$0x15C80] =	vst v63  }
0x193: {  	s2 =	simm.s32 $0x1080;
	s20 =	rddreg [dreg:$0x11]  }
0x194: {  	[tilespmem:s2], [sflag:$0x1] =	stream.indirect_vreg.gather [hbm4b:s20+s3], $0x80, v2, vm0, $0xb8;
	[tilespmem:$0x15C80] =	vst v63  }
0x195: {  	s4 =	simm.s32 $0x1880;
	s19 =	rddreg [dreg:$0x12]  }
0x196: {  	[tilespmem:s4], [sflag:$0x1] =	stream.indirect_vreg.gather [hbm4b:s19+s3], $0x80, v2, vm0, $0xb8;
	[tilespmem:$0x15C80] =	vst v63  }
0x197: {  	s8 =	simm.s32 $0x2080  }
0x198: {  	[tilespmem:s8], [sflag:$0x1] =	stream.indirect_vreg.gather [hbm4b:s17+s3], $0x80, v2, vm0, $0xb8;
	[tilespmem:$0x15C80] =	vst v63  }
0x199: {  	s12 =	simm.s32 $0x2880  }
0x19a: {  	[tilespmem:s12], [sflag:$0x1] =	stream.indirect_vreg.gather [hbm4b:s16+s3], $0x80, v2, vm0, $0xb8;
	[tilespmem:$0x15C80] =	vst v63  }
0x19b: {  	s13 =	simm.s32 $0x3080;
	s16 =	rddreg [dreg:$0x15]  }
0x19c: {  	[tilespmem:s13], [sflag:$0x1] =	stream.indirect_vreg.gather [hbm4b:s16+s3], $0x80, v2, vm0, $0xb8;
	[tilespmem:$0x15C80] =	vst v63  }
0x19d: {  	s0 =	rddreg [dreg:$0x16];
	s15 =	simm.s32 $0x3880  }
0x19e: {  	[tilespmem:s15], [sflag:$0x1] =	stream.indirect_vreg.gather [hbm4b:s0+s3], $0x80, v2, vm0, $0xb8;
	[tilespmem:$0x15C80] =	vst v63  }
0x19f: {  	s4 =	smov.u32 s17;
	s17 =	simm.s32 $0x4080;
	s13 =	rddreg [dreg:$0x17]  }
0x1a0: {  	[tilespmem:s17], [sflag:$0x1] =	stream.indirect_vreg.gather [hbm4b:s13+s3], $0x80, v2, vm0, $0xb8;
	[tilespmem:$0x15C80] =	vst v63  }
0x1a1: {  	s18 =	simm.s32 $0x4880  }
0x1a2: {  	[tilespmem:s18], [sflag:$0x1] =	stream.indirect_vreg.gather [hbm4b:s25+s3], $0x80, v2, vm0, $0xb8;
	[tilespmem:$0x15C80] =	vst v63  }
0x1a3: {  	s25 =	simm.s32 $0x5080  }
0x1a4: {  	[tilespmem:s25], [sflag:$0x1] =	stream.indirect_vreg.gather [hbm4b:s26+s3], $0x80, v2, vm0, $0xb8;
	[tilespmem:$0x15C80] =	vst v63  }
0x1a5: {  	s26 =	simm.s32 $0x5880  }
0x1a6: {  	[tilespmem:s26], [sflag:$0x1] =	stream.indirect_vreg.gather [hbm4b:s28+s3], $0x80, v2, vm0, $0xb8;
	[tilespmem:$0x15C80] =	vst v63  }
0x1a7: {  	s28 =	simm.s32 $0x6080  }
0x1a8: {  	[tilespmem:s28], [sflag:$0x1] =	stream.indirect_vreg.gather [hbm4b:s29+s3], $0x80, v2, vm0, $0xb8;
	[tilespmem:$0x15C80] =	vst v63  }
0x1a9: {  	s8 =	simm.s32 $0x6880  }
0x1aa: {  	[tilespmem:s8], [sflag:$0x1] =	stream.indirect_vreg.gather [hbm4b:s30+s3], $0x80, v2, vm0, $0xb8;
	[tilespmem:$0x15C80] =	vst v63  }
0x1ab: {  	s12 =	simm.s32 $0x7080  }
0x1ac: {  	[tilespmem:s12], [sflag:$0x1] =	stream.indirect_vreg.gather [hbm4b:s1+s3], $0x80, v2, vm0, $0xb8;
	[tilespmem:$0x15C80] =	vst v63  }
0x1ad: {  	s15 =	simm.s32 $0x7880  }
0x1ae: {  	[tilespmem:s15], [sflag:$0x1] =	stream.indirect_vreg.gather [hbm4b:s22+s3], $0x80, v2, vm0, $0xb8;
	[tilespmem:$0x15C80] =	vst v63  }
0x1af: {  	s17 =	simm.s32 $0x8080  }
0x1b0: {  	[tilespmem:s17], [sflag:$0x1] =	stream.indirect_vreg.gather [hbm4b:s10+s3], $0x80, v2, vm0, $0xb8;
	[tilespmem:$0x15C80] =	vst v63  }
0x1b1: {  	s12 =	sld [smem:$0x7E9];
	s22 =	simm.s32 $0x8880  }
0x1b2: {  	[tilespmem:s22], [sflag:$0x1] =	stream.indirect_vreg.gather [hbm4b:s23+s3], $0x80, v2, vm0, $0xb8;
	[tilespmem:$0x15C80] =	vst v63  }
0x1b3: {  	s25 =	simm.s32 $0x9080  }
0x1b4: {  	[tilespmem:s25], [sflag:$0x1] =	stream.indirect_vreg.gather [hbm4b:s12+s3], $0x80, v2, vm0, $0xb8;
	[tilespmem:$0x15C80] =	vst v63  }
0x1b5: {  	s2 =	smov.u32 s23;
	s26 =	simm.s32 $0x9880;
	s23 =	sld [smem:$0x7EB]  }
0x1b6: {  	[tilespmem:s26], [sflag:$0x1] =	stream.indirect_vreg.gather [hbm4b:s31+s3], $0x80, v2, vm0, $0xb8;
	[tilespmem:$0x15C80] =	vst v63  }
0x1b7: {  	s28 =	simm.s32 $0xA080  }
0x1b8: {  	[tilespmem:s28], [sflag:$0x1] =	stream.indirect_vreg.gather [hbm4b:s23+s3], $0x80, v2, vm0, $0xb8;
	[tilespmem:$0x15C80] =	vst v63  }
0x1b9: {  	s18 =	smov.u32 s29;
	s29 =	simm.s32 $0xA880;
	s25 =	sld [smem:$0x7ED]  }
0x1ba: {  	[tilespmem:s29], [sflag:$0x1] =	stream.indirect_vreg.gather [hbm4b:s24+s3], $0x80, v2, vm0, $0xb8;
	[tilespmem:$0x15C80] =	vst v63  }
0x1bb: {  	s30 =	simm.s32 $0xB080;
	s26 =	sld [smem:$0x7EE]  }
0x1bc: {  	[tilespmem:s30], [sflag:$0x1] =	stream.indirect_vreg.gather [hbm4b:s25+s3], $0x80, v2, vm0, $0xb8;
	[tilespmem:$0x15C80] =	vst v63  }
0x1bd: {  	s31 =	simm.s32 $0xB880;
	s28 =	sld [smem:$0x7EF]  }
0x1be: {  	[tilespmem:s31], [sflag:$0x1] =	stream.indirect_vreg.gather [hbm4b:s26+s3], $0x80, v2, vm0, $0xb8;
	[tilespmem:$0x15C80] =	vst v63  }
0x1bf: {  	s8 =	smov.u32 s10;
	s10 =	simm.s32 $0xC080;
	s29 =	sld [smem:$0x7F0]  }
0x1c0: {  	[tilespmem:s10], [sflag:$0x1] =	stream.indirect_vreg.gather [hbm4b:s28+s3], $0x80, v2, vm0, $0xb8;
	[tilespmem:$0x15C80] =	vst v63  }
0x1c1: {  	s15 =	simm.s32 $0xC880;
	s31 =	sld [smem:$0x7F1]  }
0x1c2: {  	[tilespmem:s15], [sflag:$0x1] =	stream.indirect_vreg.gather [hbm4b:s29+s3], $0x80, v2, vm0, $0xb8;
	[tilespmem:$0x15C80] =	vst v63  }
0x1c3: {  	s17 =	simm.s32 $0xD080  }
0x1c4: {  	[tilespmem:s17], [sflag:$0x1] =	stream.indirect_vreg.gather [hbm4b:s31+s3], $0x80, v2, vm0, $0xb8;
	[tilespmem:$0x15C80] =	vst v63  }
0x1c5: {  	s22 =	simm.s32 $0xD880  }
0x1c6: {  	[tilespmem:s22], [sflag:$0x1] =	stream.indirect_vreg.gather [hbm4b:s7+s3], $0x80, v2, vm0, $0xb8;
	[tilespmem:$0x15C80] =	vst v63  }
0x1c7: {  	s30 =	simm.s32 $0xE080  }
0x1c8: {  	[tilespmem:s30], [sflag:$0x1] =	stream.indirect_vreg.gather [hbm4b:s5+s3], $0x80, v2, vm0, $0xb8;
	[tilespmem:$0x15C80] =	vst v63  }
0x1c9: {  	s10 =	simm.s32 $0xE880  }
0x1ca: {  	[tilespmem:s10], [sflag:$0x1] =	stream.indirect_vreg.gather [hbm4b:s6+s3], $0x80, v2, vm0, $0xb8;
	[tilespmem:$0x15C80] =	vst v63  }
0x1cb: {  	s6 =	sld [smem:$0x7F5];
	_ =	sdelay $0x1  }
0x1cc: {  	s15 =	simm.s32 $0xF080;
	s30 =	sld [smem:$0x7F6]  }
0x1cd: {  	[tilespmem:s15], [sflag:$0x1] =	stream.indirect_vreg.gather [hbm4b:s6+s3], $0x80, v2, vm0, $0xb8;
	[tilespmem:$0x15C80] =	vst v63  }
0x1ce: {  	s17 =	simm.s32 $0xF880  }
0x1cf: {  	[tilespmem:s17], [sflag:$0x1] =	stream.indirect_vreg.gather [hbm4b:s30+s3], $0x80, v2, vm0, $0xb8;
	[tilespmem:$0x15C80] =	vst v63  }
0x1d0: {  	s22 =	simm.s32 $0x10080  }
0x1d1: {  	[tilespmem:s22], [sflag:$0x1] =	stream.indirect_vreg.gather [hbm4b:s9+s3], $0x80, v2, vm0, $0xb8;
	[tilespmem:$0x15C80] =	vst v63  }
0x1d2: {  	s10 =	simm.s32 $0x10880  }
0x1d3: {  	[tilespmem:s10], [sflag:$0x1] =	stream.indirect_vreg.gather [hbm4b:s14+s3], $0x80, v2, vm0, $0xb8;
	[tilespmem:$0x15C80] =	vst v63  }
0x1d4: {  	s10 =	sld [smem:$0x7F9];
	_ =	sdelay $0x1  }
0x1d5: {  	s1 =	sld [smem:$0x7FA];
	s15 =	simm.s32 $0x11080  }
0x1d6: {  	[tilespmem:s15], [sflag:$0x1] =	stream.indirect_vreg.gather [hbm4b:s10+s3], $0x80, v2, vm0, $0xb8;
	[tilespmem:$0x15C80] =	vst v63  }
0x1d7: {  	s17 =	simm.s32 $0x11880  }
0x1d8: {  	[tilespmem:s17], [sflag:$0x1] =	stream.indirect_vreg.gather [hbm4b:s1+s3], $0x80, v2, vm0, $0xb8;
	[tilespmem:$0x15C80] =	vst v63  }
0x1d9: {  	s22 =	simm.s32 $0x12080  }
0x1da: {  	[tilespmem:s22], [sflag:$0x1] =	stream.indirect_vreg.gather [hbm4b:s11+s3], $0x80, v2, vm0, $0xb8;
	[tilespmem:$0x15C80] =	vst v63  }
0x1db: {  	s17 =	simm.s32 $0x12880;
	s22 =	sld [smem:$0x7FD]  }
0x1dc: {  	[tilespmem:s17], [sflag:$0x1] =	stream.indirect_vreg.gather [hbm4b:s21+s3], $0x80, v2, vm0, $0xb8;
	[tilespmem:$0x15C80] =	vst v63  }
0x1dd: {  	s21 =	simm.s32 $0x13080;
	s17 =	simm.s32 $0x1  }
0x1de: {  	[tilespmem:s21], [sflag:$0x1] =	stream.indirect_vreg.gather [hbm4b:s22+s3], $0x80, v2, vm0, $0xb8;
	[tilespmem:$0x15C80] =	vst v63  }
0x1df: {  	_ =	swait.ge [sflag:s17], $0x13800  }
0x1e0: {  	[sflag:s17] =	ssyncset.done $0x0  }
0x1e1: {  	[sflag:s17] =	ssyncadd.s32 $0xFFFEC800  }
0x1e2: {  	v2 =	vld [tilespmem:$0x148F0]  }
0x1e3: {  	v3 =	vld [tilespmem:$0x14970]  }
0x1e4: {  	v44 =	vld [tilespmem:$0x149F0]  }
0x1e5: {  	v45 =	vld [tilespmem:$0x14A70]  }
0x1e6: {  	v46 =	vld [tilespmem:$0x14AF0]  }
0x1e7: {  	v47 =	vld [tilespmem:$0x14C70];
	[tilespmem:$0x13880] =	vst v2  }
0x1e8: {  	v2 =	vld [tilespmem:$0x14B70];
	[tilespmem:$0x13900] =	vst v3  }
0x1e9: {  	v3 =	vld [tilespmem:$0x14BF0];
	[tilespmem:$0x13980] =	vst v44  }
0x1ea: {  	[tilespmem:$0x13A00] =	vst v45  }
0x1eb: {  	[tilespmem:$0x13A80] =	vst v46  }
0x1ec: {  	[tilespmem:$0x13C00] =	vst v47  }
0x1ed: {  	[tilespmem:$0x13B00] =	vst v2  }
0x1ee: {  	s21 =	rddreg [dreg:$0x9];
	s17 =	simm.s32 $0x80;
	[tilespmem:$0x13B80] =	vst v3  }
0x1ef: {  	[hbm4b:s21+s3] =	stream.linear.scatter [tilespmem:s17], [sflag:$0x3], $0x13C00, $0x38;
	[tilespmem:$0x15C80] =	vst v63  }
0x1f0: {  	s21 =	simm.s32 $0x3  }
0x1f1: {  	_ =	swait.ge [sflag:s21], $0x13C00  }
0x1f2: {  	[sflag:s21] =	ssyncset.done $0x0  }
0x1f3: {  	[sflag:s21] =	ssyncadd.s32 $0xFFFEC400  }
0x1f4: {  	v2 =	vld.msk [tilespmem:$0x20], $0xff;
	_ =	sdelay $0x4  }
0x1f5: {  	v3 =	vshrl.u32 v2, $0x3  }
0x1f6: {  	v3 =	vmul.u32 $0x278, v3  }
0x1f7: {  	v2 =	vand.u32 $0x7, v2  }
0x1f8: {  	v2 =	vor.u32 v2, v3  }
0x1f9: {  	v2 =	vperm.xlane v2, v0;
	_ =	sdelay $0x1  }
0x1fa: {  	v2 =	vadd.s32 v1, v2;
	_ =	sdelay $0x3  }
0x1fb: {  	s15 =	rddreg [dreg:$0x0]  }
0x1fc: {  	[tilespmem:s17], [sflag:$0x1] =	stream.indirect_vreg.gather [hbm4b:s15+s3], $0x80, v2, vm0, $0xb8;
	[tilespmem:$0x15C80] =	vst v63  }
0x1fd: {  	s21 =	simm.s32 $0x880;
	s17 =	rddreg [dreg:$0x10]  }
0x1fe: {  	[tilespmem:s21], [sflag:$0x1] =	stream.indirect_vreg.gather [hbm4b:s17+s3], $0x80, v2, vm0, $0xb8;
	[tilespmem:$0x15C80] =	vst v63  }
0x1ff: {  	s21 =	simm.s32 $0x1080  }
0x200: {  	[tilespmem:s21], [sflag:$0x1] =	stream.indirect_vreg.gather [hbm4b:s20+s3], $0x80, v2, vm0, $0xb8;
	[tilespmem:$0x15C80] =	vst v63  }
0x201: {  	s21 =	simm.s32 $0x1880  }
0x202: {  	[tilespmem:s21], [sflag:$0x1] =	stream.indirect_vreg.gather [hbm4b:s19+s3], $0x80, v2, vm0, $0xb8;
	[tilespmem:$0x15C80] =	vst v63  }
0x203: {  	s21 =	simm.s32 $0x2080  }
0x204: {  	[tilespmem:s21], [sflag:$0x1] =	stream.indirect_vreg.gather [hbm4b:s4+s3], $0x80, v2, vm0, $0xb8;
	[tilespmem:$0x15C80] =	vst v63  }
0x205: {  	s15 =	rddreg [dreg:$0x14];
	s21 =	simm.s32 $0x2880  }
0x206: {  	[tilespmem:s21], [sflag:$0x1] =	stream.indirect_vreg.gather [hbm4b:s15+s3], $0x80, v2, vm0, $0xb8;
	[tilespmem:$0x15C80] =	vst v63  }
0x207: {  	s21 =	simm.s32 $0x3080  }
0x208: {  	[tilespmem:s21], [sflag:$0x1] =	stream.indirect_vreg.gather [hbm4b:s16+s3], $0x80, v2, vm0, $0xb8;
	[tilespmem:$0x15C80] =	vst v63  }
0x209: {  	s21 =	simm.s32 $0x3880  }
0x20a: {  	[tilespmem:s21], [sflag:$0x1] =	stream.indirect_vreg.gather [hbm4b:s0+s3], $0x80, v2, vm0, $0xb8;
	[tilespmem:$0x15C80] =	vst v63  }
0x20b: {  	s21 =	simm.s32 $0x4080  }
0x20c: {  	[tilespmem:s21], [sflag:$0x1] =	stream.indirect_vreg.gather [hbm4b:s13+s3], $0x80, v2, vm0, $0xb8;
	[tilespmem:$0x15C80] =	vst v63  }
0x20d: {  	s15 =	rddreg [dreg:$0x18];
	s21 =	simm.s32 $0x4880  }
0x20e: {  	[tilespmem:s21], [sflag:$0x1] =	stream.indirect_vreg.gather [hbm4b:s15+s3], $0x80, v2, vm0, $0xb8;
	[tilespmem:$0x15C80] =	vst v63  }
0x20f: {  	s15 =	rddreg [dreg:$0x19];
	s21 =	simm.s32 $0x5080  }
0x210: {  	[tilespmem:s21], [sflag:$0x1] =	stream.indirect_vreg.gather [hbm4b:s15+s3], $0x80, v2, vm0, $0xb8;
	[tilespmem:$0x15C80] =	vst v63  }
0x211: {  	s13 =	rddreg [dreg:$0x1a];
	s15 =	simm.s32 $0x5880  }
0x212: {  	[tilespmem:s15], [sflag:$0x1] =	stream.indirect_vreg.gather [hbm4b:s13+s3], $0x80, v2, vm0, $0xb8;
	[tilespmem:$0x15C80] =	vst v63  }
0x213: {  	s21 =	simm.s32 $0x6080  }
0x214: {  	[tilespmem:s21], [sflag:$0x1] =	stream.indirect_vreg.gather [hbm4b:s18+s3], $0x80, v2, vm0, $0xb8;
	[tilespmem:$0x15C80] =	vst v63  }
0x215: {  	s13 =	simm.s32 $0x6880;
	s21 =	rddreg [dreg:$0x1c]  }
0x216: {  	[tilespmem:s13], [sflag:$0x1] =	stream.indirect_vreg.gather [hbm4b:s21+s3], $0x80, v2, vm0, $0xb8;
	[tilespmem:$0x15C80] =	vst v63  }
0x217: {  	s0 =	rddreg [dreg:$0x1d];
	s15 =	simm.s32 $0x7080  }
0x218: {  	[tilespmem:s15], [sflag:$0x1] =	stream.indirect_vreg.gather [hbm4b:s0+s3], $0x80, v2, vm0, $0xb8;
	[tilespmem:$0x15C80] =	vst v63  }
0x219: {  	s18 =	simm.s32 $0x7880;
	s13 =	rddreg [dreg:$0x1e]  }
0x21a: {  	[tilespmem:s18], [sflag:$0x1] =	stream.indirect_vreg.gather [hbm4b:s13+s3], $0x80, v2, vm0, $0xb8;
	[tilespmem:$0x15C80] =	vst v63  }
0x21b: {  	s18 =	simm.s32 $0x8080  }
0x21c: {  	[tilespmem:s18], [sflag:$0x1] =	stream.indirect_vreg.gather [hbm4b:s8+s3], $0x80, v2, vm0, $0xb8;
	[tilespmem:$0x15C80] =	vst v63  }
0x21d: {  	s18 =	simm.s32 $0x8880  }
0x21e: {  	[tilespmem:s18], [sflag:$0x1] =	stream.indirect_vreg.gather [hbm4b:s2+s3], $0x80, v2, vm0, $0xb8;
	[tilespmem:$0x15C80] =	vst v63  }
0x21f: {  	s8 =	simm.s32 $0x9080  }
0x220: {  	[tilespmem:s8], [sflag:$0x1] =	stream.indirect_vreg.gather [hbm4b:s12+s3], $0x80, v2, vm0, $0xb8;
	[tilespmem:$0x15C80] =	vst v63  }
0x221: {  	s8 =	sld [smem:$0x7EA];
	_ =	sdelay $0x1  }
0x222: {  	s15 =	simm.s32 $0x9880  }
0x223: {  	[tilespmem:s15], [sflag:$0x1] =	stream.indirect_vreg.gather [hbm4b:s8+s3], $0x80, v2, vm0, $0xb8;
	[tilespmem:$0x15C80] =	vst v63  }
0x224: {  	s18 =	simm.s32 $0xA080  }
0x225: {  	[tilespmem:s18], [sflag:$0x1] =	stream.indirect_vreg.gather [hbm4b:s23+s3], $0x80, v2, vm0, $0xb8;
	[tilespmem:$0x15C80] =	vst v63  }
0x226: {  	s23 =	simm.s32 $0xA880  }
0x227: {  	[tilespmem:s23], [sflag:$0x1] =	stream.indirect_vreg.gather [hbm4b:s24+s3], $0x80, v2, vm0, $0xb8;
	[tilespmem:$0x15C80] =	vst v63  }
0x228: {  	s24 =	simm.s32 $0xB080  }
0x229: {  	[tilespmem:s24], [sflag:$0x1] =	stream.indirect_vreg.gather [hbm4b:s25+s3], $0x80, v2, vm0, $0xb8;
	[tilespmem:$0x15C80] =	vst v63  }
0x22a: {  	s25 =	simm.s32 $0xB880  }
0x22b: {  	[tilespmem:s25], [sflag:$0x1] =	stream.indirect_vreg.gather [hbm4b:s26+s3], $0x80, v2, vm0, $0xb8;
	[tilespmem:$0x15C80] =	vst v63  }
0x22c: {  	s26 =	simm.s32 $0xC080  }
0x22d: {  	[tilespmem:s26], [sflag:$0x1] =	stream.indirect_vreg.gather [hbm4b:s28+s3], $0x80, v2, vm0, $0xb8;
	[tilespmem:$0x15C80] =	vst v63  }
0x22e: {  	s28 =	simm.s32 $0xC880  }
0x22f: {  	[tilespmem:s28], [sflag:$0x1] =	stream.indirect_vreg.gather [hbm4b:s29+s3], $0x80, v2, vm0, $0xb8;
	[tilespmem:$0x15C80] =	vst v63  }
0x230: {  	s12 =	simm.s32 $0xD080  }
0x231: {  	[tilespmem:s12], [sflag:$0x1] =	stream.indirect_vreg.gather [hbm4b:s31+s3], $0x80, v2, vm0, $0xb8;
	[tilespmem:$0x15C80] =	vst v63  }
0x232: {  	s15 =	simm.s32 $0xD880  }
0x233: {  	[tilespmem:s15], [sflag:$0x1] =	stream.indirect_vreg.gather [hbm4b:s7+s3], $0x80, v2, vm0, $0xb8;
	[tilespmem:$0x15C80] =	vst v63  }
0x234: {  	s18 =	simm.s32 $0xE080;
	s12 =	sld [smem:$0x7F4]  }
0x235: {  	[tilespmem:s18], [sflag:$0x1] =	stream.indirect_vreg.gather [hbm4b:s5+s3], $0x80, v2, vm0, $0xb8;
	[tilespmem:$0x15C80] =	vst v63  }
0x236: {  	s23 =	simm.s32 $0xE880  }
0x237: {  	[tilespmem:s23], [sflag:$0x1] =	stream.indirect_vreg.gather [hbm4b:s12+s3], $0x80, v2, vm0, $0xb8;
	[tilespmem:$0x15C80] =	vst v63  }
0x238: {  	s24 =	simm.s32 $0xF080  }
0x239: {  	[tilespmem:s24], [sflag:$0x1] =	stream.indirect_vreg.gather [hbm4b:s6+s3], $0x80, v2, vm0, $0xb8;
	[tilespmem:$0x15C80] =	vst v63  }
0x23a: {  	s25 =	simm.s32 $0xF880  }
0x23b: {  	[tilespmem:s25], [sflag:$0x1] =	stream.indirect_vreg.gather [hbm4b:s30+s3], $0x80, v2, vm0, $0xb8;
	[tilespmem:$0x15C80] =	vst v63  }
0x23c: {  	s26 =	simm.s32 $0x10080  }
0x23d: {  	[tilespmem:s26], [sflag:$0x1] =	stream.indirect_vreg.gather [hbm4b:s9+s3], $0x80, v2, vm0, $0xb8;
	[tilespmem:$0x15C80] =	vst v63  }
0x23e: {  	s30 =	simm.s32 $0x10880  }
0x23f: {  	[tilespmem:s30], [sflag:$0x1] =	stream.indirect_vreg.gather [hbm4b:s14+s3], $0x80, v2, vm0, $0xb8;
	[tilespmem:$0x15C80] =	vst v63  }
0x240: {  	s31 =	simm.s32 $0x11080  }
0x241: {  	[tilespmem:s31], [sflag:$0x1] =	stream.indirect_vreg.gather [hbm4b:s10+s3], $0x80, v2, vm0, $0xb8;
	[tilespmem:$0x15C80] =	vst v63  }
0x242: {  	s2 =	simm.s32 $0x11880;
	s24 =	smov.u32 s1  }
0x243: {  	[tilespmem:s2], [sflag:$0x1] =	stream.indirect_vreg.gather [hbm4b:s24+s3], $0x80, v2, vm0, $0xb8;
	[tilespmem:$0x15C80] =	vst v63  }
0x244: {  	s28 =	smov.u32 s5;
	s5 =	simm.s32 $0x12080;
	s18 =	sld [smem:$0x7FC]  }
0x245: {  	[tilespmem:s5], [sflag:$0x1] =	stream.indirect_vreg.gather [hbm4b:s11+s3], $0x80, v2, vm0, $0xb8;
	[tilespmem:$0x15C80] =	vst v63  }
0x246: {  	s29 =	smov.u32 s6;
	s6 =	simm.s32 $0x12880  }
0x247: {  	[tilespmem:s6], [sflag:$0x1] =	stream.indirect_vreg.gather [hbm4b:s18+s3], $0x80, v2, vm0, $0xb8;
	[tilespmem:$0x15C80] =	vst v63  }
0x248: {  	s7 =	simm.s32 $0x13080;
	s9 =	simm.s32 $0x1  }
0x249: {  	[tilespmem:s7], [sflag:$0x1] =	stream.indirect_vreg.gather [hbm4b:s22+s3], $0x80, v2, vm0, $0xb8;
	[tilespmem:$0x15C80] =	vst v63  }
0x24a: {  	_ =	swait.ge [sflag:s9], $0x13800  }
0x24b: {  	[sflag:s9] =	ssyncset.done $0x0  }
0x24c: {  	[sflag:s9] =	ssyncadd.s32 $0xFFFEC800  }
0x24d: {  	v2 =	vld [tilespmem:$0x14CF0]  }
0x24e: {  	v3 =	vld [tilespmem:$0x14D70]  }
0x24f: {  	v48 =	vld [tilespmem:$0x14DF0]  }
0x250: {  	v49 =	vld [tilespmem:$0x14E70]  }
0x251: {  	v50 =	vld [tilespmem:$0x14EF0]  }
0x252: {  	v51 =	vld [tilespmem:$0x15070];
	[tilespmem:$0x13880] =	vst v2  }
0x253: {  	v2 =	vld [tilespmem:$0x14F70];
	[tilespmem:$0x13900] =	vst v3  }
0x254: {  	v3 =	vld [tilespmem:$0x14FF0];
	[tilespmem:$0x13980] =	vst v48  }
0x255: {  	[tilespmem:$0x13A00] =	vst v49  }
0x256: {  	[tilespmem:$0x13A80] =	vst v50  }
0x257: {  	[tilespmem:$0x13C00] =	vst v51  }
0x258: {  	[tilespmem:$0x13B00] =	vst v2  }
0x259: {  	s14 =	simm.s32 $0x3;
	s11 =	simm.s32 $0x80;
	s10 =	rddreg [dreg:$0xa];
	[tilespmem:$0x13B80] =	vst v3  }
0x25a: {  	[hbm4b:s10+s3] =	stream.linear.scatter [tilespmem:s11], [sflag:$0x3], $0x13C00, $0x38;
	[tilespmem:$0x15C80] =	vst v63  }
0x25b: {  	_ =	swait.ge [sflag:s14], $0x13C00  }
0x25c: {  	[sflag:s14] =	ssyncset.done $0x0  }
0x25d: {  	[sflag:s14] =	ssyncadd.s32 $0xFFFEC400  }
0x25e: {  	v2 =	vld.msk [tilespmem:$0x28], $0xff;
	_ =	sdelay $0x4  }
0x25f: {  	v3 =	vshrl.u32 v2, $0x3  }
0x260: {  	v3 =	vmul.u32 $0x278, v3  }
0x261: {  	v2 =	vand.u32 $0x7, v2  }
0x262: {  	v2 =	vor.u32 v2, v3  }
0x263: {  	v2 =	vperm.xlane v2, v0;
	_ =	sdelay $0x1  }
0x264: {  	v2 =	vadd.s32 v1, v2;
	_ =	sdelay $0x3  }
0x265: {  	s15 =	rddreg [dreg:$0x0]  }
0x266: {  	[tilespmem:s11], [sflag:$0x1] =	stream.indirect_vreg.gather [hbm4b:s15+s3], $0x80, v2, vm0, $0xb8;
	[tilespmem:$0x15C80] =	vst v63  }
0x267: {  	s22 =	simm.s32 $0x880  }
0x268: {  	[tilespmem:s22], [sflag:$0x1] =	stream.indirect_vreg.gather [hbm4b:s17+s3], $0x80, v2, vm0, $0xb8;
	[tilespmem:$0x15C80] =	vst v63  }
0x269: {  	s23 =	simm.s32 $0x1080  }
0x26a: {  	[tilespmem:s23], [sflag:$0x1] =	stream.indirect_vreg.gather [hbm4b:s20+s3], $0x80, v2, vm0, $0xb8;
	[tilespmem:$0x15C80] =	vst v63  }
0x26b: {  	s25 =	simm.s32 $0x1880  }
0x26c: {  	[tilespmem:s25], [sflag:$0x1] =	stream.indirect_vreg.gather [hbm4b:s19+s3], $0x80, v2, vm0, $0xb8;
	[tilespmem:$0x15C80] =	vst v63  }
0x26d: {  	s26 =	simm.s32 $0x2080  }
0x26e: {  	[tilespmem:s26], [sflag:$0x1] =	stream.indirect_vreg.gather [hbm4b:s4+s3], $0x80, v2, vm0, $0xb8;
	[tilespmem:$0x15C80] =	vst v63  }
0x26f: {  	s30 =	simm.s32 $0x2880;
	s1 =	rddreg [dreg:$0x14]  }
0x270: {  	[tilespmem:s30], [sflag:$0x1] =	stream.indirect_vreg.gather [hbm4b:s1+s3], $0x80, v2, vm0, $0xb8;
	[tilespmem:$0x15C80] =	vst v63  }
0x271: {  	s31 =	simm.s32 $0x3080  }
0x272: {  	[tilespmem:s31], [sflag:$0x1] =	stream.indirect_vreg.gather [hbm4b:s16+s3], $0x80, v2, vm0, $0xb8;
	[tilespmem:$0x15C80] =	vst v63  }
0x273: {  	s2 =	smov.u32 s16;
	s5 =	simm.s32 $0x3880;
	s16 =	rddreg [dreg:$0x16]  }
0x274: {  	[tilespmem:s5], [sflag:$0x1] =	stream.indirect_vreg.gather [hbm4b:s16+s3], $0x80, v2, vm0, $0xb8;
	[tilespmem:$0x15C80] =	vst v63  }
0x275: {  	s6 =	simm.s32 $0x4080;
	s14 =	rddreg [dreg:$0x17]  }
0x276: {  	[tilespmem:s6], [sflag:$0x1] =	stream.indirect_vreg.gather [hbm4b:s14+s3], $0x80, v2, vm0, $0xb8;
	[tilespmem:$0x15C80] =	vst v63  }
0x277: {  	s7 =	simm.s32 $0x4880;
	s30 =	rddreg [dreg:$0x18]  }
0x278: {  	[tilespmem:s7], [sflag:$0x1] =	stream.indirect_vreg.gather [hbm4b:s30+s3], $0x80, v2, vm0, $0xb8;
	[tilespmem:$0x15C80] =	vst v63  }
0x279: {  	s9 =	simm.s32 $0x5080;
	s26 =	rddreg [dreg:$0x19]  }
0x27a: {  	[tilespmem:s9], [sflag:$0x1] =	stream.indirect_vreg.gather [hbm4b:s26+s3], $0x80, v2, vm0, $0xb8;
	[tilespmem:$0x15C80] =	vst v63  }
0x27b: {  	s10 =	simm.s32 $0x5880;
	s25 =	rddreg [dreg:$0x1a]  }
0x27c: {  	[tilespmem:s10], [sflag:$0x1] =	stream.indirect_vreg.gather [hbm4b:s25+s3], $0x80, v2, vm0, $0xb8;
	[tilespmem:$0x15C80] =	vst v63  }
0x27d: {  	s11 =	simm.s32 $0x6080;
	s23 =	rddreg [dreg:$0x1b]  }
0x27e: {  	[tilespmem:s11], [sflag:$0x1] =	stream.indirect_vreg.gather [hbm4b:s23+s3], $0x80, v2, vm0, $0xb8;
	[tilespmem:$0x15C80] =	vst v63  }
0x27f: {  	s15 =	simm.s32 $0x6880  }
0x280: {  	[tilespmem:s15], [sflag:$0x1] =	stream.indirect_vreg.gather [hbm4b:s21+s3], $0x80, v2, vm0, $0xb8;
	[tilespmem:$0x15C80] =	vst v63  }
0x281: {  	s17 =	simm.s32 $0x7080;
	s21 =	smov.u32 s0  }
0x282: {  	[tilespmem:s17], [sflag:$0x1] =	stream.indirect_vreg.gather [hbm4b:s21+s3], $0x80, v2, vm0, $0xb8;
	[tilespmem:$0x15C80] =	vst v63  }
0x283: {  	s22 =	simm.s32 $0x7880  }
0x284: {  	[tilespmem:s22], [sflag:$0x1] =	stream.indirect_vreg.gather [hbm4b:s13+s3], $0x80, v2, vm0, $0xb8;
	[tilespmem:$0x15C80] =	vst v63  }
0x285: {  	s4 =	rddreg [dreg:$0x1f];
	s31 =	simm.s32 $0x8080  }
0x286: {  	[tilespmem:s31], [sflag:$0x1] =	stream.indirect_vreg.gather [hbm4b:s4+s3], $0x80, v2, vm0, $0xb8;
	[tilespmem:$0x15C80] =	vst v63  }
0x287: {  	s31 =	sld [smem:$0x7E8];
	_ =	sdelay $0x1  }
0x288: {  	s5 =	simm.s32 $0x8880  }
0x289: {  	[tilespmem:s5], [sflag:$0x1] =	stream.indirect_vreg.gather [hbm4b:s31+s3], $0x80, v2, vm0, $0xb8;
	[tilespmem:$0x15C80] =	vst v63  }
0x28a: {  	s5 =	sld [smem:$0x7E9];
	_ =	sdelay $0x1  }
0x28b: {  	s6 =	simm.s32 $0x9080  }
0x28c: {  	[tilespmem:s6], [sflag:$0x1] =	stream.indirect_vreg.gather [hbm4b:s5+s3], $0x80, v2, vm0, $0xb8;
	[tilespmem:$0x15C80] =	vst v63  }
0x28d: {  	s7 =	simm.s32 $0x9880  }
0x28e: {  	[tilespmem:s7], [sflag:$0x1] =	stream.indirect_vreg.gather [hbm4b:s8+s3], $0x80, v2, vm0, $0xb8;
	[tilespmem:$0x15C80] =	vst v63  }
0x28f: {  	s7 =	sld [smem:$0x7EB];
	_ =	sdelay $0x1  }
0x290: {  	s6 =	smov.u32 s8;
	s8 =	simm.s32 $0xA080  }
0x291: {  	[tilespmem:s8], [sflag:$0x1] =	stream.indirect_vreg.gather [hbm4b:s7+s3], $0x80, v2, vm0, $0xb8;
	[tilespmem:$0x15C80] =	vst v63  }
0x292: {  	s8 =	sld [smem:$0x7EC];
	_ =	sdelay $0x1  }
0x293: {  	s9 =	simm.s32 $0xA880  }
0x294: {  	[tilespmem:s9], [sflag:$0x1] =	stream.indirect_vreg.gather [hbm4b:s8+s3], $0x80, v2, vm0, $0xb8;
	[tilespmem:$0x15C80] =	vst v63  }
0x295: {  	s9 =	sld [smem:$0x7ED];
	_ =	sdelay $0x1  }
0x296: {  	s10 =	simm.s32 $0xB080  }
0x297: {  	[tilespmem:s10], [sflag:$0x1] =	stream.indirect_vreg.gather [hbm4b:s9+s3], $0x80, v2, vm0, $0xb8;
	[tilespmem:$0x15C80] =	vst v63  }
0x298: {  	s10 =	sld [smem:$0x7EE];
	_ =	sdelay $0x1  }
0x299: {  	s11 =	simm.s32 $0xB880  }
0x29a: {  	[tilespmem:s11], [sflag:$0x1] =	stream.indirect_vreg.gather [hbm4b:s10+s3], $0x80, v2, vm0, $0xb8;
	[tilespmem:$0x15C80] =	vst v63  }
0x29b: {  	s11 =	sld [smem:$0x7EF];
	_ =	sdelay $0x1  }
0x29c: {  	s15 =	simm.s32 $0xC080;
	s22 =	sld [smem:$0x7F0]  }
0x29d: {  	[tilespmem:s15], [sflag:$0x1] =	stream.indirect_vreg.gather [hbm4b:s11+s3], $0x80, v2, vm0, $0xb8;
	[tilespmem:$0x15C80] =	vst v63  }
0x29e: {  	s17 =	simm.s32 $0xC880  }
0x29f: {  	[tilespmem:s17], [sflag:$0x1] =	stream.indirect_vreg.gather [hbm4b:s22+s3], $0x80, v2, vm0, $0xb8;
	[tilespmem:$0x15C80] =	vst v63  }
0x2a0: {  	s17 =	sld [smem:$0x7F1];
	_ =	sdelay $0x1  }
0x2a1: {  	s0 =	simm.s32 $0xD080  }
0x2a2: {  	[tilespmem:s0], [sflag:$0x1] =	stream.indirect_vreg.gather [hbm4b:s17+s3], $0x80, v2, vm0, $0xb8;
	[tilespmem:$0x15C80] =	vst v63  }
0x2a3: {  	s0 =	sld [smem:$0x7F2];
	_ =	sdelay $0x1  }
0x2a4: {  	s15 =	simm.s32 $0xD880  }
0x2a5: {  	[tilespmem:s15], [sflag:$0x1] =	stream.indirect_vreg.gather [hbm4b:s0+s3], $0x80, v2, vm0, $0xb8;
	[tilespmem:$0x15C80] =	vst v63  }
0x2a6: {  	s15 =	simm.s32 $0xE080  }
0x2a7: {  	[tilespmem:s15], [sflag:$0x1] =	stream.indirect_vreg.gather [hbm4b:s28+s3], $0x80, v2, vm0, $0xb8;
	[tilespmem:$0x15C80] =	vst v63  }
0x2a8: {  	s15 =	simm.s32 $0xE880  }
0x2a9: {  	[tilespmem:s15], [sflag:$0x1] =	stream.indirect_vreg.gather [hbm4b:s12+s3], $0x80, v2, vm0, $0xb8;
	[tilespmem:$0x15C80] =	vst v63  }
0x2aa: {  	s0 =	sld [smem:$0x7F6];
	s28 =	simm.s32 $0xF080  }
0x2ab: {  	[tilespmem:s28], [sflag:$0x1] =	stream.indirect_vreg.gather [hbm4b:s29+s3], $0x80, v2, vm0, $0xb8;
	[tilespmem:$0x15C80] =	vst v63  }
0x2ac: {  	s29 =	simm.s32 $0xF880;
	s28 =	sld [smem:$0x7F7]  }
0x2ad: {  	[tilespmem:s29], [sflag:$0x1] =	stream.indirect_vreg.gather [hbm4b:s0+s3], $0x80, v2, vm0, $0xb8;
	[tilespmem:$0x15C80] =	vst v63  }
0x2ae: {  	s15 =	simm.s32 $0x10080;
	s12 =	sld [smem:$0x7F8]  }
0x2af: {  	[tilespmem:s15], [sflag:$0x1] =	stream.indirect_vreg.gather [hbm4b:s28+s3], $0x80, v2, vm0, $0xb8;
	[tilespmem:$0x15C80] =	vst v63  }
0x2b0: {  	s29 =	simm.s32 $0x10880  }
0x2b1: {  	[tilespmem:s29], [sflag:$0x1] =	stream.indirect_vreg.gather [hbm4b:s12+s3], $0x80, v2, vm0, $0xb8;
	[tilespmem:$0x15C80] =	vst v63  }
0x2b2: {  	s29 =	sld [smem:$0x7F9];
	_ =	sdelay $0x1  }
0x2b3: {  	s15 =	simm.s32 $0x11080  }
0x2b4: {  	[tilespmem:s15], [sflag:$0x1] =	stream.indirect_vreg.gather [hbm4b:s29+s3], $0x80, v2, vm0, $0xb8;
	[tilespmem:$0x15C80] =	vst v63  }
0x2b5: {  	s29 =	simm.s32 $0x11880  }
0x2b6: {  	[tilespmem:s29], [sflag:$0x1] =	stream.indirect_vreg.gather [hbm4b:s24+s3], $0x80, v2, vm0, $0xb8;
	[tilespmem:$0x15C80] =	vst v63  }
0x2b7: {  	s29 =	sld [smem:$0x7FB];
	_ =	sdelay $0x1  }
0x2b8: {  	s24 =	simm.s32 $0x12080  }
0x2b9: {  	[tilespmem:s24], [sflag:$0x1] =	stream.indirect_vreg.gather [hbm4b:s29+s3], $0x80, v2, vm0, $0xb8;
	[tilespmem:$0x15C80] =	vst v63  }
0x2ba: {  	s28 =	simm.s32 $0x12880  }
0x2bb: {  	[tilespmem:s28], [sflag:$0x1] =	stream.indirect_vreg.gather [hbm4b:s18+s3], $0x80, v2, vm0, $0xb8;
	[tilespmem:$0x15C80] =	vst v63  }
0x2bc: {  	s28 =	sld [smem:$0x7FD];
	_ =	sdelay $0x1  }
0x2bd: {  	s24 =	simm.s32 $0x13080  }
0x2be: {  	[tilespmem:s24], [sflag:$0x1] =	stream.indirect_vreg.gather [hbm4b:s28+s3], $0x80, v2, vm0, $0xb8;
	[tilespmem:$0x15C80] =	vst v63  }
0x2bf: {  	s24 =	simm.s32 $0x1  }
0x2c0: {  	_ =	swait.ge [sflag:s24], $0x13800  }
0x2c1: {  	[sflag:s24] =	ssyncset.done $0x0  }
0x2c2: {  	[sflag:s24] =	ssyncadd.s32 $0xFFFEC800  }
0x2c3: {  	v2 =	vld [tilespmem:$0x150F0]  }
0x2c4: {  	v3 =	vld [tilespmem:$0x15170]  }
0x2c5: {  	v52 =	vld [tilespmem:$0x151F0]  }
0x2c6: {  	v53 =	vld [tilespmem:$0x15270]  }
0x2c7: {  	v54 =	vld [tilespmem:$0x152F0]  }
0x2c8: {  	v55 =	vld [tilespmem:$0x15470];
	[tilespmem:$0x13880] =	vst v2  }
0x2c9: {  	v2 =	vld [tilespmem:$0x15370];
	[tilespmem:$0x13900] =	vst v3  }
0x2ca: {  	v3 =	vld [tilespmem:$0x153F0];
	[tilespmem:$0x13980] =	vst v52  }
0x2cb: {  	[tilespmem:$0x13A00] =	vst v53  }
0x2cc: {  	[tilespmem:$0x13A80] =	vst v54  }
0x2cd: {  	[tilespmem:$0x13C00] =	vst v55  }
0x2ce: {  	[tilespmem:$0x13B00] =	vst v2  }
0x2cf: {  	s15 =	rddreg [dreg:$0xb];
	s24 =	simm.s32 $0x80;
	[tilespmem:$0x13B80] =	vst v3  }
0x2d0: {  	[hbm4b:s15+s3] =	stream.linear.scatter [tilespmem:s24], [sflag:$0x3], $0x13C00, $0x38;
	[tilespmem:$0x15C80] =	vst v63  }
0x2d1: {  	s15 =	simm.s32 $0x3  }
0x2d2: {  	_ =	swait.ge [sflag:s15], $0x13C00  }
0x2d3: {  	[sflag:s15] =	ssyncset.done $0x0  }
0x2d4: {  	[sflag:s15] =	ssyncadd.s32 $0xFFFEC400  }
0x2d5: {  	v2 =	vld.msk [tilespmem:$0x30], $0xff;
	_ =	sdelay $0x4  }
0x2d6: {  	v3 =	vshrl.u32 v2, $0x3  }
0x2d7: {  	v3 =	vmul.u32 $0x278, v3  }
0x2d8: {  	v2 =	vand.u32 $0x7, v2  }
0x2d9: {  	v2 =	vor.u32 v2, v3  }
0x2da: {  	v2 =	vperm.xlane v2, v0;
	_ =	sdelay $0x1  }
0x2db: {  	v2 =	vadd.s32 v1, v2;
	_ =	sdelay $0x3  }
0x2dc: {  	s15 =	rddreg [dreg:$0x0]  }
0x2dd: {  	[tilespmem:s24], [sflag:$0x1] =	stream.indirect_vreg.gather [hbm4b:s15+s3], $0x80, v2, vm0, $0xb8;
	[tilespmem:$0x15C80] =	vst v63  }
0x2de: {  	s24 =	simm.s32 $0x880;
	s15 =	rddreg [dreg:$0x10]  }
0x2df: {  	[tilespmem:s24], [sflag:$0x1] =	stream.indirect_vreg.gather [hbm4b:s15+s3], $0x80, v2, vm0, $0xb8;
	[tilespmem:$0x15C80] =	vst v63  }
0x2e0: {  	s15 =	simm.s32 $0x1080  }
0x2e1: {  	[tilespmem:s15], [sflag:$0x1] =	stream.indirect_vreg.gather [hbm4b:s20+s3], $0x80, v2, vm0, $0xb8;
	[tilespmem:$0x15C80] =	vst v63  }
0x2e2: {  	s15 =	simm.s32 $0x1880  }
0x2e3: {  	[tilespmem:s15], [sflag:$0x1] =	stream.indirect_vreg.gather [hbm4b:s19+s3], $0x80, v2, vm0, $0xb8;
	[tilespmem:$0x15C80] =	vst v63  }
0x2e4: {  	s15 =	simm.s32 $0x2080;
	s19 =	rddreg [dreg:$0x13]  }
0x2e5: {  	[tilespmem:s15], [sflag:$0x1] =	stream.indirect_vreg.gather [hbm4b:s19+s3], $0x80, v2, vm0, $0xb8;
	[tilespmem:$0x15C80] =	vst v63  }
0x2e6: {  	s15 =	simm.s32 $0x2880  }
0x2e7: {  	[tilespmem:s15], [sflag:$0x1] =	stream.indirect_vreg.gather [hbm4b:s1+s3], $0x80, v2, vm0, $0xb8;
	[tilespmem:$0x15C80] =	vst v63  }
0x2e8: {  	s15 =	simm.s32 $0x3080  }
0x2e9: {  	[tilespmem:s15], [sflag:$0x1] =	stream.indirect_vreg.gather [hbm4b:s2+s3], $0x80, v2, vm0, $0xb8;
	[tilespmem:$0x15C80] =	vst v63  }
0x2ea: {  	s15 =	simm.s32 $0x3880  }
0x2eb: {  	[tilespmem:s15], [sflag:$0x1] =	stream.indirect_vreg.gather [hbm4b:s16+s3], $0x80, v2, vm0, $0xb8;
	[tilespmem:$0x15C80] =	vst v63  }
0x2ec: {  	s2 =	simm.s32 $0x4080  }
0x2ed: {  	[tilespmem:s2], [sflag:$0x1] =	stream.indirect_vreg.gather [hbm4b:s14+s3], $0x80, v2, vm0, $0xb8;
	[tilespmem:$0x15C80] =	vst v63  }
0x2ee: {  	s15 =	simm.s32 $0x4880  }
0x2ef: {  	[tilespmem:s15], [sflag:$0x1] =	stream.indirect_vreg.gather [hbm4b:s30+s3], $0x80, v2, vm0, $0xb8;
	[tilespmem:$0x15C80] =	vst v63  }
0x2f0: {  	s2 =	simm.s32 $0x5080  }
0x2f1: {  	[tilespmem:s2], [sflag:$0x1] =	stream.indirect_vreg.gather [hbm4b:s26+s3], $0x80, v2, vm0, $0xb8;
	[tilespmem:$0x15C80] =	vst v63  }
0x2f2: {  	s15 =	simm.s32 $0x5880  }
0x2f3: {  	[tilespmem:s15], [sflag:$0x1] =	stream.indirect_vreg.gather [hbm4b:s25+s3], $0x80, v2, vm0, $0xb8;
	[tilespmem:$0x15C80] =	vst v63  }
0x2f4: {  	s2 =	simm.s32 $0x6080  }
0x2f5: {  	[tilespmem:s2], [sflag:$0x1] =	stream.indirect_vreg.gather [hbm4b:s23+s3], $0x80, v2, vm0, $0xb8;
	[tilespmem:$0x15C80] =	vst v63  }
0x2f6: {  	s15 =	simm.s32 $0x6880;
	s2 =	rddreg [dreg:$0x1c]  }
0x2f7: {  	[tilespmem:s15], [sflag:$0x1] =	stream.indirect_vreg.gather [hbm4b:s2+s3], $0x80, v2, vm0, $0xb8;
	[tilespmem:$0x15C80] =	vst v63  }
0x2f8: {  	s15 =	simm.s32 $0x7080  }
0x2f9: {  	[tilespmem:s15], [sflag:$0x1] =	stream.indirect_vreg.gather [hbm4b:s21+s3], $0x80, v2, vm0, $0xb8;
	[tilespmem:$0x15C80] =	vst v63  }
0x2fa: {  	s15 =	simm.s32 $0x7880  }
0x2fb: {  	[tilespmem:s15], [sflag:$0x1] =	stream.indirect_vreg.gather [hbm4b:s13+s3], $0x80, v2, vm0, $0xb8;
	[tilespmem:$0x15C80] =	vst v63  }
0x2fc: {  	s15 =	simm.s32 $0x8080  }
0x2fd: {  	[tilespmem:s15], [sflag:$0x1] =	stream.indirect_vreg.gather [hbm4b:s4+s3], $0x80, v2, vm0, $0xb8;
	[tilespmem:$0x15C80] =	vst v63  }
0x2fe: {  	s4 =	simm.s32 $0x8880  }
0x2ff: {  	[tilespmem:s4], [sflag:$0x1] =	stream.indirect_vreg.gather [hbm4b:s31+s3], $0x80, v2, vm0, $0xb8;
	[tilespmem:$0x15C80] =	vst v63  }
0x300: {  	s15 =	simm.s32 $0x9080  }
0x301: {  	[tilespmem:s15], [sflag:$0x1] =	stream.indirect_vreg.gather [hbm4b:s5+s3], $0x80, v2, vm0, $0xb8;
	[tilespmem:$0x15C80] =	vst v63  }
0x302: {  	s4 =	simm.s32 $0x9880  }
0x303: {  	[tilespmem:s4], [sflag:$0x1] =	stream.indirect_vreg.gather [hbm4b:s6+s3], $0x80, v2, vm0, $0xb8;
	[tilespmem:$0x15C80] =	vst v63  }
0x304: {  	s6 =	simm.s32 $0xA080  }
0x305: {  	[tilespmem:s6], [sflag:$0x1] =	stream.indirect_vreg.gather [hbm4b:s7+s3], $0x80, v2, vm0, $0xb8;
	[tilespmem:$0x15C80] =	vst v63  }
0x306: {  	s7 =	simm.s32 $0xA880  }
0x307: {  	[tilespmem:s7], [sflag:$0x1] =	stream.indirect_vreg.gather [hbm4b:s8+s3], $0x80, v2, vm0, $0xb8;
	[tilespmem:$0x15C80] =	vst v63  }
0x308: {  	s8 =	simm.s32 $0xB080  }
0x309: {  	[tilespmem:s8], [sflag:$0x1] =	stream.indirect_vreg.gather [hbm4b:s9+s3], $0x80, v2, vm0, $0xb8;
	[tilespmem:$0x15C80] =	vst v63  }
0x30a: {  	s9 =	simm.s32 $0xB880  }
0x30b: {  	[tilespmem:s9], [sflag:$0x1] =	stream.indirect_vreg.gather [hbm4b:s10+s3], $0x80, v2, vm0, $0xb8;
	[tilespmem:$0x15C80] =	vst v63  }
0x30c: {  	s15 =	simm.s32 $0xC080  }
0x30d: {  	[tilespmem:s15], [sflag:$0x1] =	stream.indirect_vreg.gather [hbm4b:s11+s3], $0x80, v2, vm0, $0xb8;
	[tilespmem:$0x15C80] =	vst v63  }
0x30e: {  	s4 =	simm.s32 $0xC880  }
0x30f: {  	[tilespmem:s4], [sflag:$0x1] =	stream.indirect_vreg.gather [hbm4b:s22+s3], $0x80, v2, vm0, $0xb8;
	[tilespmem:$0x15C80] =	vst v63  }
0x310: {  	s6 =	simm.s32 $0xD080;
	s4 =	sld [smem:$0x7F2]  }
0x311: {  	[tilespmem:s6], [sflag:$0x1] =	stream.indirect_vreg.gather [hbm4b:s17+s3], $0x80, v2, vm0, $0xb8;
	[tilespmem:$0x15C80] =	vst v63  }
0x312: {  	s7 =	simm.s32 $0xD880;
	s6 =	sld [smem:$0x7F3]  }
0x313: {  	[tilespmem:s7], [sflag:$0x1] =	stream.indirect_vreg.gather [hbm4b:s4+s3], $0x80, v2, vm0, $0xb8;
	[tilespmem:$0x15C80] =	vst v63  }
0x314: {  	s8 =	simm.s32 $0xE080;
	s7 =	sld [smem:$0x7F4]  }
0x315: {  	[tilespmem:s8], [sflag:$0x1] =	stream.indirect_vreg.gather [hbm4b:s6+s3], $0x80, v2, vm0, $0xb8;
	[tilespmem:$0x15C80] =	vst v63  }
0x316: {  	s1 =	sld [smem:$0x7F5];
	s9 =	simm.s32 $0xE880  }
0x317: {  	[tilespmem:s9], [sflag:$0x1] =	stream.indirect_vreg.gather [hbm4b:s7+s3], $0x80, v2, vm0, $0xb8;
	[tilespmem:$0x15C80] =	vst v63  }
0x318: {  	s15 =	simm.s32 $0xF080  }
0x319: {  	[tilespmem:s15], [sflag:$0x1] =	stream.indirect_vreg.gather [hbm4b:s1+s3], $0x80, v2, vm0, $0xb8;
	[tilespmem:$0x15C80] =	vst v63  }
0x31a: {  	s8 =	sld [smem:$0x7F7];
	s9 =	simm.s32 $0xF880  }
0x31b: {  	[tilespmem:s9], [sflag:$0x1] =	stream.indirect_vreg.gather [hbm4b:s0+s3], $0x80, v2, vm0, $0xb8;
	[tilespmem:$0x15C80] =	vst v63  }
0x31c: {  	s15 =	simm.s32 $0x10080  }
0x31d: {  	[tilespmem:s15], [sflag:$0x1] =	stream.indirect_vreg.gather [hbm4b:s8+s3], $0x80, v2, vm0, $0xb8;
	[tilespmem:$0x15C80] =	vst v63  }
0x31e: {  	s9 =	simm.s32 $0x10880  }
0x31f: {  	[tilespmem:s9], [sflag:$0x1] =	stream.indirect_vreg.gather [hbm4b:s12+s3], $0x80, v2, vm0, $0xb8;
	[tilespmem:$0x15C80] =	vst v63  }
0x320: {  	s9 =	sld [smem:$0x7F9];
	_ =	sdelay $0x1  }
0x321: {  	s15 =	simm.s32 $0x11080  }
0x322: {  	[tilespmem:s15], [sflag:$0x1] =	stream.indirect_vreg.gather [hbm4b:s9+s3], $0x80, v2, vm0, $0xb8;
	[tilespmem:$0x15C80] =	vst v63  }
0x323: {  	s15 =	sld [smem:$0x7FA];
	_ =	sdelay $0x1  }
0x324: {  	s12 =	simm.s32 $0x11880  }
0x325: {  	[tilespmem:s12], [sflag:$0x1] =	stream.indirect_vreg.gather [hbm4b:s15+s3], $0x80, v2, vm0, $0xb8;
	[tilespmem:$0x15C80] =	vst v63  }
0x326: {  	s12 =	simm.s32 $0x12080  }
0x327: {  	[tilespmem:s12], [sflag:$0x1] =	stream.indirect_vreg.gather [hbm4b:s29+s3], $0x80, v2, vm0, $0xb8;
	[tilespmem:$0x15C80] =	vst v63  }
0x328: {  	s15 =	simm.s32 $0x12880  }
0x329: {  	[tilespmem:s15], [sflag:$0x1] =	stream.indirect_vreg.gather [hbm4b:s18+s3], $0x80, v2, vm0, $0xb8;
	[tilespmem:$0x15C80] =	vst v63  }
0x32a: {  	s12 =	simm.s32 $0x13080;
	s15 =	simm.s32 $0x1  }
0x32b: {  	[tilespmem:s12], [sflag:$0x1] =	stream.indirect_vreg.gather [hbm4b:s28+s3], $0x80, v2, vm0, $0xb8;
	[tilespmem:$0x15C80] =	vst v63  }
0x32c: {  	_ =	swait.ge [sflag:s15], $0x13800  }
0x32d: {  	[sflag:s15] =	ssyncset.done $0x0  }
0x32e: {  	[sflag:s15] =	ssyncadd.s32 $0xFFFEC800  }
0x32f: {  	v2 =	vld [tilespmem:$0x154F0]  }
0x330: {  	v3 =	vld [tilespmem:$0x15570]  }
0x331: {  	v56 =	vld [tilespmem:$0x155F0]  }
0x332: {  	v57 =	vld [tilespmem:$0x15670]  }
0x333: {  	v58 =	vld [tilespmem:$0x156F0]  }
0x334: {  	v59 =	vld [tilespmem:$0x15870];
	[tilespmem:$0x13880] =	vst v2  }
0x335: {  	v2 =	vld [tilespmem:$0x15770];
	[tilespmem:$0x13900] =	vst v3  }
0x336: {  	v3 =	vld [tilespmem:$0x157F0];
	[tilespmem:$0x13980] =	vst v56  }
0x337: {  	[tilespmem:$0x13A00] =	vst v57  }
0x338: {  	[tilespmem:$0x13A80] =	vst v58  }
0x339: {  	[tilespmem:$0x13C00] =	vst v59  }
0x33a: {  	[tilespmem:$0x13B00] =	vst v2  }
0x33b: {  	s0 =	simm.s32 $0x80;
	s12 =	rddreg [dreg:$0xc];
	s15 =	simm.s32 $0x3;
	[tilespmem:$0x13B80] =	vst v3  }
0x33c: {  	[hbm4b:s12+s3] =	stream.linear.scatter [tilespmem:s0], [sflag:$0x3], $0x13C00, $0x38;
	[tilespmem:$0x15C80] =	vst v63  }
0x33d: {  	_ =	swait.ge [sflag:s15], $0x13C00  }
0x33e: {  	[sflag:s15] =	ssyncset.done $0x0  }
0x33f: {  	[sflag:s15] =	ssyncadd.s32 $0xFFFEC400  }
0x340: {  	v2 =	vld.msk [tilespmem:$0x38], $0xff;
	_ =	sdelay $0x4  }
0x341: {  	v3 =	vshrl.u32 v2, $0x3  }
0x342: {  	v3 =	vmul.u32 $0x278, v3  }
0x343: {  	v2 =	vand.u32 $0x7, v2  }
0x344: {  	v2 =	vor.u32 v2, v3  }
0x345: {  	v2 =	vperm.xlane v2, v0;
	_ =	sdelay $0x1  }
0x346: {  	v2 =	vadd.s32 v1, v2;
	_ =	sdelay $0x3  }
0x347: {  	s15 =	rddreg [dreg:$0x0]  }
0x348: {  	[tilespmem:s0], [sflag:$0x1] =	stream.indirect_vreg.gather [hbm4b:s15+s3], $0x80, v2, vm0, $0xb8;
	[tilespmem:$0x15C80] =	vst v63  }
0x349: {  	s24 =	simm.s32 $0x880;
	s15 =	rddreg [dreg:$0x10]  }
0x34a: {  	[tilespmem:s24], [sflag:$0x1] =	stream.indirect_vreg.gather [hbm4b:s15+s3], $0x80, v2, vm0, $0xb8;
	[tilespmem:$0x15C80] =	vst v63  }
0x34b: {  	s15 =	simm.s32 $0x1080  }
0x34c: {  	[tilespmem:s15], [sflag:$0x1] =	stream.indirect_vreg.gather [hbm4b:s20+s3], $0x80, v2, vm0, $0xb8;
	[tilespmem:$0x15C80] =	vst v63  }
0x34d: {  	s24 =	simm.s32 $0x1880;
	s20 =	rddreg [dreg:$0x12]  }
0x34e: {  	[tilespmem:s24], [sflag:$0x1] =	stream.indirect_vreg.gather [hbm4b:s20+s3], $0x80, v2, vm0, $0xb8;
	[tilespmem:$0x15C80] =	vst v63  }
0x34f: {  	s15 =	simm.s32 $0x2080  }
0x350: {  	[tilespmem:s15], [sflag:$0x1] =	stream.indirect_vreg.gather [hbm4b:s19+s3], $0x80, v2, vm0, $0xb8;
	[tilespmem:$0x15C80] =	vst v63  }
0x351: {  	s20 =	rddreg [dreg:$0x14];
	s24 =	simm.s32 $0x2880  }
0x352: {  	[tilespmem:s24], [sflag:$0x1] =	stream.indirect_vreg.gather [hbm4b:s20+s3], $0x80, v2, vm0, $0xb8;
	[tilespmem:$0x15C80] =	vst v63  }
0x353: {  	s15 =	simm.s32 $0x3080;
	s19 =	rddreg [dreg:$0x15]  }
0x354: {  	[tilespmem:s15], [sflag:$0x1] =	stream.indirect_vreg.gather [hbm4b:s19+s3], $0x80, v2, vm0, $0xb8;
	[tilespmem:$0x15C80] =	vst v63  }
0x355: {  	s20 =	simm.s32 $0x3880  }
0x356: {  	[tilespmem:s20], [sflag:$0x1] =	stream.indirect_vreg.gather [hbm4b:s16+s3], $0x80, v2, vm0, $0xb8;
	[tilespmem:$0x15C80] =	vst v63  }
0x357: {  	s24 =	simm.s32 $0x4080  }
0x358: {  	[tilespmem:s24], [sflag:$0x1] =	stream.indirect_vreg.gather [hbm4b:s14+s3], $0x80, v2, vm0, $0xb8;
	[tilespmem:$0x15C80] =	vst v63  }
0x359: {  	s15 =	simm.s32 $0x4880  }
0x35a: {  	[tilespmem:s15], [sflag:$0x1] =	stream.indirect_vreg.gather [hbm4b:s30+s3], $0x80, v2, vm0, $0xb8;
	[tilespmem:$0x15C80] =	vst v63  }
0x35b: {  	s16 =	simm.s32 $0x5080  }
0x35c: {  	[tilespmem:s16], [sflag:$0x1] =	stream.indirect_vreg.gather [hbm4b:s26+s3], $0x80, v2, vm0, $0xb8;
	[tilespmem:$0x15C80] =	vst v63  }
0x35d: {  	s19 =	simm.s32 $0x5880  }
0x35e: {  	[tilespmem:s19], [sflag:$0x1] =	stream.indirect_vreg.gather [hbm4b:s25+s3], $0x80, v2, vm0, $0xb8;
	[tilespmem:$0x15C80] =	vst v63  }
0x35f: {  	s20 =	simm.s32 $0x6080  }
0x360: {  	[tilespmem:s20], [sflag:$0x1] =	stream.indirect_vreg.gather [hbm4b:s23+s3], $0x80, v2, vm0, $0xb8;
	[tilespmem:$0x15C80] =	vst v63  }
0x361: {  	s23 =	simm.s32 $0x6880  }
0x362: {  	[tilespmem:s23], [sflag:$0x1] =	stream.indirect_vreg.gather [hbm4b:s2+s3], $0x80, v2, vm0, $0xb8;
	[tilespmem:$0x15C80] =	vst v63  }
0x363: {  	s24 =	simm.s32 $0x7080  }
0x364: {  	[tilespmem:s24], [sflag:$0x1] =	stream.indirect_vreg.gather [hbm4b:s21+s3], $0x80, v2, vm0, $0xb8;
	[tilespmem:$0x15C80] =	vst v63  }
0x365: {  	s25 =	simm.s32 $0x7880  }
0x366: {  	[tilespmem:s25], [sflag:$0x1] =	stream.indirect_vreg.gather [hbm4b:s13+s3], $0x80, v2, vm0, $0xb8;
	[tilespmem:$0x15C80] =	vst v63  }
0x367: {  	s30 =	simm.s32 $0x8080;
	s26 =	rddreg [dreg:$0x1f]  }
0x368: {  	[tilespmem:s30], [sflag:$0x1] =	stream.indirect_vreg.gather [hbm4b:s26+s3], $0x80, v2, vm0, $0xb8;
	[tilespmem:$0x15C80] =	vst v63  }
0x369: {  	s13 =	simm.s32 $0x8880  }
0x36a: {  	[tilespmem:s13], [sflag:$0x1] =	stream.indirect_vreg.gather [hbm4b:s31+s3], $0x80, v2, vm0, $0xb8;
	[tilespmem:$0x15C80] =	vst v63  }
0x36b: {  	s14 =	simm.s32 $0x9080;
	s15 =	sld [smem:$0x7EA]  }
0x36c: {  	[tilespmem:s14], [sflag:$0x1] =	stream.indirect_vreg.gather [hbm4b:s5+s3], $0x80, v2, vm0, $0xb8;
	[tilespmem:$0x15C80] =	vst v63  }
0x36d: {  	s16 =	simm.s32 $0x9880;
	s20 =	sld [smem:$0x7EB]  }
0x36e: {  	[tilespmem:s16], [sflag:$0x1] =	stream.indirect_vreg.gather [hbm4b:s15+s3], $0x80, v2, vm0, $0xb8;
	[tilespmem:$0x15C80] =	vst v63  }
0x36f: {  	s19 =	simm.s32 $0xA080;
	s21 =	sld [smem:$0x7EC]  }
0x370: {  	[tilespmem:s19], [sflag:$0x1] =	stream.indirect_vreg.gather [hbm4b:s20+s3], $0x80, v2, vm0, $0xb8;
	[tilespmem:$0x15C80] =	vst v63  }
0x371: {  	s23 =	simm.s32 $0xA880;
	s25 =	sld [smem:$0x7ED]  }
0x372: {  	[tilespmem:s23], [sflag:$0x1] =	stream.indirect_vreg.gather [hbm4b:s21+s3], $0x80, v2, vm0, $0xb8;
	[tilespmem:$0x15C80] =	vst v63  }
0x373: {  	s24 =	simm.s32 $0xB080  }
0x374: {  	[tilespmem:s24], [sflag:$0x1] =	stream.indirect_vreg.gather [hbm4b:s25+s3], $0x80, v2, vm0, $0xb8;
	[tilespmem:$0x15C80] =	vst v63  }
0x375: {  	s26 =	simm.s32 $0xB880  }
0x376: {  	[tilespmem:s26], [sflag:$0x1] =	stream.indirect_vreg.gather [hbm4b:s10+s3], $0x80, v2, vm0, $0xb8;
	[tilespmem:$0x15C80] =	vst v63  }
0x377: {  	s30 =	simm.s32 $0xC080  }
0x378: {  	[tilespmem:s30], [sflag:$0x1] =	stream.indirect_vreg.gather [hbm4b:s11+s3], $0x80, v2, vm0, $0xb8;
	[tilespmem:$0x15C80] =	vst v63  }
0x379: {  	s31 =	simm.s32 $0xC880  }
0x37a: {  	[tilespmem:s31], [sflag:$0x1] =	stream.indirect_vreg.gather [hbm4b:s22+s3], $0x80, v2, vm0, $0xb8;
	[tilespmem:$0x15C80] =	vst v63  }
0x37b: {  	s5 =	simm.s32 $0xD080  }
0x37c: {  	[tilespmem:s5], [sflag:$0x1] =	stream.indirect_vreg.gather [hbm4b:s17+s3], $0x80, v2, vm0, $0xb8;
	[tilespmem:$0x15C80] =	vst v63  }
0x37d: {  	s10 =	simm.s32 $0xD880  }
0x37e: {  	[tilespmem:s10], [sflag:$0x1] =	stream.indirect_vreg.gather [hbm4b:s4+s3], $0x80, v2, vm0, $0xb8;
	[tilespmem:$0x15C80] =	vst v63  }
0x37f: {  	s11 =	simm.s32 $0xE080  }
0x380: {  	[tilespmem:s11], [sflag:$0x1] =	stream.indirect_vreg.gather [hbm4b:s6+s3], $0x80, v2, vm0, $0xb8;
	[tilespmem:$0x15C80] =	vst v63  }
0x381: {  	s13 =	simm.s32 $0xE880  }
0x382: {  	[tilespmem:s13], [sflag:$0x1] =	stream.indirect_vreg.gather [hbm4b:s7+s3], $0x80, v2, vm0, $0xb8;
	[tilespmem:$0x15C80] =	vst v63  }
0x383: {  	s14 =	simm.s32 $0xF080;
	s16 =	sld [smem:$0x7F6]  }
0x384: {  	[tilespmem:s14], [sflag:$0x1] =	stream.indirect_vreg.gather [hbm4b:s1+s3], $0x80, v2, vm0, $0xb8;
	[tilespmem:$0x15C80] =	vst v63  }
0x385: {  	s15 =	simm.s32 $0xF880  }
0x386: {  	[tilespmem:s15], [sflag:$0x1] =	stream.indirect_vreg.gather [hbm4b:s16+s3], $0x80, v2, vm0, $0xb8;
	[tilespmem:$0x15C80] =	vst v63  }
0x387: {  	s20 =	sld [smem:$0x7F8];
	s17 =	simm.s32 $0x10080  }
0x388: {  	[tilespmem:s17], [sflag:$0x1] =	stream.indirect_vreg.gather [hbm4b:s8+s3], $0x80, v2, vm0, $0xb8;
	[tilespmem:$0x15C80] =	vst v63  }
0x389: {  	s19 =	simm.s32 $0x10880  }
0x38a: {  	[tilespmem:s19], [sflag:$0x1] =	stream.indirect_vreg.gather [hbm4b:s20+s3], $0x80, v2, vm0, $0xb8;
	[tilespmem:$0x15C80] =	vst v63  }
0x38b: {  	s21 =	simm.s32 $0x11080;
	s23 =	sld [smem:$0x7FA]  }
0x38c: {  	[tilespmem:s21], [sflag:$0x1] =	stream.indirect_vreg.gather [hbm4b:s9+s3], $0x80, v2, vm0, $0xb8;
	[tilespmem:$0x15C80] =	vst v63  }
0x38d: {  	s22 =	simm.s32 $0x11880  }
0x38e: {  	[tilespmem:s22], [sflag:$0x1] =	stream.indirect_vreg.gather [hbm4b:s23+s3], $0x80, v2, vm0, $0xb8;
	[tilespmem:$0x15C80] =	vst v63  }
0x38f: {  	s24 =	simm.s32 $0x12080  }
0x390: {  	[tilespmem:s24], [sflag:$0x1] =	stream.indirect_vreg.gather [hbm4b:s29+s3], $0x80, v2, vm0, $0xb8;
	[tilespmem:$0x15C80] =	vst v63  }
0x391: {  	s25 =	simm.s32 $0x12880  }
0x392: {  	[tilespmem:s25], [sflag:$0x1] =	stream.indirect_vreg.gather [hbm4b:s18+s3], $0x80, v2, vm0, $0xb8;
	[tilespmem:$0x15C80] =	vst v63  }
0x393: {  	s26 =	simm.s32 $0x13080;
	s29 =	simm.s32 $0x1  }
0x394: {  	[tilespmem:s26], [sflag:$0x1] =	stream.indirect_vreg.gather [hbm4b:s28+s3], $0x80, v2, vm0, $0xb8;
	[tilespmem:$0x15C80] =	vst v63  }
0x395: {  	s0 =	sld [smem:$0x7E7];
	_ =	swait.ge [sflag:s29], $0x13800  }
0x396: {  	[sflag:s29] =	ssyncset.done $0x0  }
0x397: {  	[sflag:s29] =	ssyncadd.s32 $0xFFFEC800  }
0x398: {  	v2 =	vld [tilespmem:$0x158F0]  }
0x399: {  	v3 =	vld [tilespmem:$0x15970]  }
0x39a: {  	v60 =	vld [tilespmem:$0x159F0]  }
0x39b: {  	v61 =	vld [tilespmem:$0x15A70]  }
0x39c: {  	v62 =	vld [tilespmem:$0x15AF0]  }
0x39d: {  	v63 =	vld [tilespmem:$0x15C70];
	[tilespmem:$0x13880] =	vst v2  }
0x39e: {  	v2 =	vld [tilespmem:$0x15B70];
	[tilespmem:$0x13900] =	vst v3  }
0x39f: {  	v3 =	vld [tilespmem:$0x15BF0];
	[tilespmem:$0x13980] =	vst v60  }
0x3a0: {  	[tilespmem:$0x13A00] =	vst v61  }
0x3a1: {  	[tilespmem:$0x13A80] =	vst v62  }
0x3a2: {  	[tilespmem:$0x13C00] =	vst v63  }
0x3a3: {  	s12 =	simm.s32 $0x3;
	p0 =	sne.s32 s0, $0x1;
	[tilespmem:$0x13B00] =	vst v2  }
.Ltmp0:
0x3a4: {  	s31 =	simm.s32 $0x80;
	s30 =	rddreg [dreg:$0xd];
	[tilespmem:$0x13B80] =	vst v3;
	(pc) =	sbr.rel @p0 .LBB2_1-.Ltmp0, $4  }
0x3a5: {  	[hbm4b:s30+s3] =	stream.linear.scatter [tilespmem:s31], [sflag:$0x3], $0x13C00, $0x38;
	[tilespmem:$0x15C80] =	vst v63  }
0x3a6: {  	_ =	swait.ge [sflag:s12], $0x13C00  }
0x3a7: {  	[sflag:s12] =	ssyncset.done $0x0  }
0x3a8: {  	s0 =	sadd.s32 $0xFFFFFFFF, s0;
	[sflag:s12] =	ssyncadd.s32 $0xFFFEC400  }
0x3a9: {  	_ =	sfence.sel $0x180000  }
0x3aa: {  	[bflag:$0x0] =	sbarrier.arrive $0xFFFF  }
0x3ab: {  	_ =	strace $0x90000047  }
0x3ac: {  	s0 =	stileid.u32;
	[bflag:$0x2] =	sbarrier.arrive $0xFFFF  }
0x3ad: {  	p0 =	sne.s32 s0, $0x0;
	s0 =	rddreg [dreg:$0x3]  }
0x3ae: {  	s0 =	sadd.s32 @!p0 $0x100000, s0  }
0x3af: {  	[sflag:s0] =	ssyncadd.tile.s32 @!p0 $0x1;
	_ =	shalt  }
.Lfunc_end2:
_tile_overlayer_lowered:
.L_overlay_start_2:
0x3b0: {  	(tag) =	ssettag $0x2  }
0x3b1: {  	s0 =	rddreg [dreg:$0x0];
	s2 =	stileid.u32  }
0x3b2: {  	s1 =	rddreg [dreg:$0x1];
	p0 =	sne.s32 s2, $0x0  }
0x3b3: {  	s3 =	rddreg [dreg:$0x2];
	[bflag:$0x3] =	sbarrier.arrive $0xFFFF;
	s2 =	simm.s32 @!p0 $0x1C03  }
0x3b4: {  	[timem:s3], [sflag:s2] =	dma.local @!p0 [hbm:s0], s1  }
0x3b5: {  	s0 =	simm.s32 @!p0 $0x3  }
0x3b6: {  	_ =	swait.ge @!p0 [sflag:s0], s1  }
0x3b7: {  	s1 =	ssub.s32 @!p0 $0x0, s1;
	[sflag:s0] =	ssyncset.done @!p0 $0x0  }
0x3b8: {  	[sflag:s0] =	ssyncadd.s32 @!p0 s1  }
0x3b9: {  	[bflag:$0x3] =	sbarrier.arrive $0xFFFF  }
0x3ba: {  	_ =	shalt  }

</sc_bundles>
